<compile_context>
chip_gen: v7x
topology: tpu7x:2x2x1
jax: 0.10.2.dev20260603
libtpu: 0.0.44.dev20260713+nightly
codegen_flags: <defaults>
</compile_context>

<pallas_src>
import functools
import jax
import jax.numpy as jnp
from jax import lax
from jax.experimental import pallas as pl
from jax.experimental.pallas import tpu as pltpu
from jax.experimental.pallas import tpu_sc as plsc

_NC = 2
_NS = 16
_L = 16
_R = 8
_P = 2048


def kernel(x, perm_indices):
    B, D = x.shape
    nw = _NC * _NS
    rows_per_w = B // nw
    nt = rows_per_w // _R

    mesh = plsc.VectorSubcoreMesh(core_axis_name="c", subcore_axis_name="s")

    @functools.partial(
        pl.kernel,
        out_type=jax.ShapeDtypeStruct((B, D), x.dtype),
        mesh=mesh,
        compiler_params=pltpu.CompilerParams(needs_layout_passes=False),
        scratch_types=[
            pltpu.VMEM((D,), jnp.int32),
            pltpu.VMEM((_R, D), jnp.float32),
            pltpu.VMEM((_R, D), jnp.float32),
            pltpu.VMEM((_R, _P), jnp.float32),
            pltpu.VMEM((_R, _P), jnp.float32),
            pltpu.SemaphoreType.DMA,
            pltpu.SemaphoreType.DMA,
            pltpu.SemaphoreType.DMA,
            pltpu.SemaphoreType.DMA,
            pltpu.SemaphoreType.DMA,
            pltpu.SemaphoreType.DMA,
        ],
    )
    def sc_gather(
        x_hbm, perm_hbm, out_hbm, perm_v, xt0, xt1, ot0, ot1,
        si0a, si0b, si1a, si1b, so0, so1
    ):
        wid = lax.axis_index("s") * _NC + lax.axis_index("c")
        row_base = wid * rows_per_w
        pltpu.sync_copy(perm_hbm, perm_v)
        xt = (xt0, xt1)
        ot = (ot0, ot1)
        sin = ((si0a, si0b), (si1a, si1b))
        sout = (so0, so1)
        hr = _R // 2

        def in_copy_half(t, b, k):
            row0 = row_base + t * _R + k * hr
            return pltpu.make_async_copy(
                x_hbm.at[pl.ds(row0, hr), :],
                xt[b].at[pl.ds(k * hr, hr), :],
                sin[b][k],
            )

        def in_start(t, b):
            in_copy_half(t, b, 0).start()
            in_copy_half(t, b, 1).start()

        def in_wait(t, b):
            in_copy_half(t, b, 0).wait()
            in_copy_half(t, b, 1).wait()

        def out_copy(t, p):
            row0 = row_base + t * _R
            return pltpu.make_async_copy(
                ot[p], out_hbm.at[pl.ds(row0, _R), pl.ds(p * _P, _P)], sout[p]
            )

        in_start(0, 0)

        def tile_step(t, b):
            in_wait(t, b)

            @pl.when(t + 1 < nt)
            def _prefetch():
                in_start(t + 1, 1 - b)

            xtb = xt[b]
            for p in range(2):
                @pl.when(t >= 1)
                def _drain_out():
                    out_copy(t - 1, p).wait()

                otp = ot[p]

                @plsc.parallel_loop(0, _P // _L, unroll=8)
                def _cols(j):
                    pv = perm_v[pl.ds(p * _P + j * _L, _L)]
                    for r in range(_R):
                        otp[r, pl.ds(j * _L, _L)] = plsc.load_gather(
                            xtb,
                            [jnp.full((_L,), r, jnp.int32), pv],
                        )

                out_copy(t, p).start()

        @functools.partial(lax.fori_loop, 0, nt // 2, init_val=0)
        def _tiles(g, c):
            tile_step(2 * g, 0)
            tile_step(2 * g + 1, 1)
            return c

        out_copy(nt - 1, 0).wait()
        out_copy(nt - 1, 1).wait()

    return sc_gather(x, perm_indices)

# --- scband reference (transcript-rebuilt; emitter-appended) ---
"""Pipeline reference for scband-plugboard-38663295599386 (READ-ONLY COPY).

The authoritative reference and input builder live on the scoring server;
editing this copy changes nothing except your own understanding.
"""

import jax, jax.numpy as jnp
import numpy as np

B = 16384
D = 4096

def setup_inputs(seed: int = 0) -> dict:
    key = jax.random.key(seed)
    x = jax.random.normal(key, (B, D), dtype=jnp.float32)
    # buffer registered in __init__: identity permutation over d
    perm_indices = jnp.arange(D, dtype=jnp.int32)
    return {"x": x, "perm_indices": perm_indices}

def reference(x, perm_indices):
    # torch: return x[:, self.perm_indices]  -> gather along feature axis
    return jnp.take(x, perm_indices, axis=1)

if __name__ == "__main__":
    import jax
    _d = setup_inputs()
    print(jax.jit(kernel)(*tuple(_d.values())))

</pallas_src>

<mosaic_0001>
#map = affine_map<(d0, d1) -> (0, 0)>
#map1 = affine_map<(d0, d1) -> (0)>
module attributes {stable_mosaic.version = 14 : i64} {
  func.func @sc_gather(%arg0: i32, %arg1: i32, %arg2: memref<16384x4096xf32, #tpu.memory_space<hbm>>, %arg3: memref<4096xi32, #tpu.memory_space<hbm>>, %arg4: memref<16384x4096xf32, #tpu.memory_space<hbm>>, %arg5: memref<4096xi32, #tpu.memory_space<vmem>>, %arg6: memref<8x4096xf32, #tpu.memory_space<vmem>>, %arg7: memref<8x4096xf32, #tpu.memory_space<vmem>>, %arg8: memref<8x2048xf32, #tpu.memory_space<vmem>>, %arg9: memref<8x2048xf32, #tpu.memory_space<vmem>>, %arg10: memref<!tpu.dma_semaphore, #tpu.memory_space<semaphore_mem>>, %arg11: memref<!tpu.dma_semaphore, #tpu.memory_space<semaphore_mem>>, %arg12: memref<!tpu.dma_semaphore, #tpu.memory_space<semaphore_mem>>, %arg13: memref<!tpu.dma_semaphore, #tpu.memory_space<semaphore_mem>>, %arg14: memref<!tpu.dma_semaphore, #tpu.memory_space<semaphore_mem>>, %arg15: memref<!tpu.dma_semaphore, #tpu.memory_space<semaphore_mem>>) attributes {dimension_semantics = [#tpu.dimension_semantics<core_parallel>, #tpu.dimension_semantics<subcore_parallel>], iteration_bounds = array<i64: 2, 16>, scalar_prefetch = 0 : i64, scratch_operands = 11 : i64, tpu.core_type = #tpu.core_type<sc_vector_subcore>, window_params = [{transform_indices = #map}, {transform_indices = #map1}, {transform_indices = #map}]} {
    %mul3A = arith.constant 2 : i32
    %mul3A_0 = arith.muli %arg1, %mul3A : i32
    %add3A = arith.addi %mul3A_0, %arg0 : i32
    %mul3A_1 = arith.constant 512 : i32
    %mul3A_2 = arith.muli %add3A, %mul3A_1 : i32
    "tpu.region"() ({
      %run_scoped3A = tpu.sem_alloc : memref<!tpu.dma_semaphore, #tpu.memory_space<semaphore_mem>>
      tpu.enqueue_dma source(%arg3 : memref<4096xi32, #tpu.memory_space<hbm>>) target(%arg5 : memref<4096xi32, #tpu.memory_space<vmem>>) target_semaphore(%run_scoped3A : memref<!tpu.dma_semaphore, #tpu.memory_space<semaphore_mem>>)
      tpu.wait_dma2 semaphore(%run_scoped3A : memref<!tpu.dma_semaphore, #tpu.memory_space<semaphore_mem>>) src(%arg3 : memref<4096xi32, #tpu.memory_space<hbm>>) dst(%arg5 : memref<4096xi32, #tpu.memory_space<vmem>>)
      tpu.yield
    }) : () -> ()
    %add3A_3 = arith.constant 0 : i32
    %add3A_4 = arith.addi %mul3A_2, %add3A_3 : i32
    %add3A_5 = arith.constant 0 : i32
    %add3A_6 = arith.addi %add3A_4, %add3A_5 : i32
    %dma_start3A = arith.constant 0 : i32
    %dma_start3A_7 = arith.constant 0 : i32
    %dma_start3A_8 = tpu.memref_slice %arg6[%dma_start3A, %dma_start3A_7] : memref<8x4096xf32, #tpu.memory_space<vmem>> -> memref<4x4096xf32, #tpu.memory_space<vmem>>
    %dma_start3A_9 = arith.constant 0 : i32
    %dma_start3A_10 = tpu.memref_slice %arg2[%add3A_6, %dma_start3A_9] : memref<16384x4096xf32, #tpu.memory_space<hbm>> -> memref<4x4096xf32, #tpu.memory_space<hbm>>
    %dma_start3A_11 = arith.constant 0 : i32
    %dma_start3A_12 = arith.constant 0 : i32
    %dma_start3A_13 = tpu.memref_slice %arg6[%dma_start3A_11, %dma_start3A_12] : memref<8x4096xf32, #tpu.memory_space<vmem>> -> memref<4x4096xf32, #tpu.memory_space<vmem>>
    %dma_start3A_14 = arith.constant 0 : i32
    %dma_start3A_15 = tpu.memref_slice %arg2[%add3A_6, %dma_start3A_14] : memref<16384x4096xf32, #tpu.memory_space<hbm>> -> memref<4x4096xf32, #tpu.memory_space<hbm>>
    tpu.enqueue_dma source(%dma_start3A_15 : memref<4x4096xf32, #tpu.memory_space<hbm>>) target(%dma_start3A_13 : memref<4x4096xf32, #tpu.memory_space<vmem>>) target_semaphore(%arg10 : memref<!tpu.dma_semaphore, #tpu.memory_space<semaphore_mem>>)
    %add3A_16 = arith.constant 0 : i32
    %add3A_17 = arith.addi %mul3A_2, %add3A_16 : i32
    %add3A_18 = arith.constant 4 : i32
    %add3A_19 = arith.addi %add3A_17, %add3A_18 : i32
    %dma_start3A_20 = arith.constant 4 : i32
    %dma_start3A_21 = arith.constant 0 : i32
    %dma_start3A_22 = tpu.memref_slice %arg6[%dma_start3A_20, %dma_start3A_21] : memref<8x4096xf32, #tpu.memory_space<vmem>> -> memref<4x4096xf32, #tpu.memory_space<vmem>>
    %dma_start3A_23 = arith.constant 0 : i32
    %dma_start3A_24 = tpu.memref_slice %arg2[%add3A_19, %dma_start3A_23] : memref<16384x4096xf32, #tpu.memory_space<hbm>> -> memref<4x4096xf32, #tpu.memory_space<hbm>>
    %dma_start3A_25 = arith.constant 4 : i32
    %dma_start3A_26 = arith.constant 0 : i32
    %dma_start3A_27 = tpu.memref_slice %arg6[%dma_start3A_25, %dma_start3A_26] : memref<8x4096xf32, #tpu.memory_space<vmem>> -> memref<4x4096xf32, #tpu.memory_space<vmem>>
    %dma_start3A_28 = arith.constant 0 : i32
    %dma_start3A_29 = tpu.memref_slice %arg2[%add3A_19, %dma_start3A_28] : memref<16384x4096xf32, #tpu.memory_space<hbm>> -> memref<4x4096xf32, #tpu.memory_space<hbm>>
    tpu.enqueue_dma source(%dma_start3A_29 : memref<4x4096xf32, #tpu.memory_space<hbm>>) target(%dma_start3A_27 : memref<4x4096xf32, #tpu.memory_space<vmem>>) target_semaphore(%arg11 : memref<!tpu.dma_semaphore, #tpu.memory_space<semaphore_mem>>)
    %scan3A = arith.constant 0 : i32
    %scan3A_30 = arith.constant 0 : i32
    %scan3A_31 = arith.constant 32 : i32
    %scan3A_32 = arith.addi %scan3A_30, %scan3A_31 : i32
    %scan3A_33 = arith.constant 1 : i32
    scf.for %scan3A_46 = %scan3A_30 to %scan3A_32 step %scan3A_33  : i32 {
      %mul3A_47 = arith.constant 2 : i32
      %mul3A_48 = arith.muli %mul3A_47, %scan3A_46 : i32
      %mul3A_49 = arith.constant 8 : i32
      %mul3A_50 = arith.muli %mul3A_48, %mul3A_49 : i32
      %add3A_51 = arith.addi %mul3A_2, %mul3A_50 : i32
      %add3A_52 = arith.constant 0 : i32
      %add3A_53 = arith.addi %add3A_51, %add3A_52 : i32
      %dma_wait3A_54 = arith.constant 0 : i32
      %dma_wait3A_55 = arith.constant 0 : i32
      %dma_wait3A_56 = tpu.memref_slice %arg6[%dma_wait3A_54, %dma_wait3A_55] : memref<8x4096xf32, #tpu.memory_space<vmem>> -> memref<4x4096xf32, #tpu.memory_space<vmem>>
      %dma_wait3A_57 = arith.constant 0 : i32
      %dma_wait3A_58 = tpu.memref_slice %arg2[%add3A_53, %dma_wait3A_57] : memref<16384x4096xf32, #tpu.memory_space<hbm>> -> memref<4x4096xf32, #tpu.memory_space<hbm>>
      %dma_wait3A_59 = arith.constant 0 : i32
      %dma_wait3A_60 = arith.constant 0 : i32
      %dma_wait3A_61 = tpu.memref_slice %arg6[%dma_wait3A_59, %dma_wait3A_60] : memref<8x4096xf32, #tpu.memory_space<vmem>> -> memref<4x4096xf32, #tpu.memory_space<vmem>>
      %dma_wait3A_62 = arith.constant 0 : i32
      %dma_wait3A_63 = tpu.memref_slice %arg2[%add3A_53, %dma_wait3A_62] : memref<16384x4096xf32, #tpu.memory_space<hbm>> -> memref<4x4096xf32, #tpu.memory_space<hbm>>
      tpu.wait_dma2 semaphore(%arg10 : memref<!tpu.dma_semaphore, #tpu.memory_space<semaphore_mem>>) src(%dma_wait3A_63 : memref<4x4096xf32, #tpu.memory_space<hbm>>) dst(%dma_wait3A_61 : memref<4x4096xf32, #tpu.memory_space<vmem>>)
      %mul3A_64 = arith.constant 8 : i32
      %mul3A_65 = arith.muli %mul3A_48, %mul3A_64 : i32
      %add3A_66 = arith.addi %mul3A_2, %mul3A_65 : i32
      %add3A_67 = arith.constant 4 : i32
      %add3A_68 = arith.addi %add3A_66, %add3A_67 : i32
      %dma_wait3A_69 = arith.constant 4 : i32
      %dma_wait3A_70 = arith.constant 0 : i32
      %dma_wait3A_71 = tpu.memref_slice %arg6[%dma_wait3A_69, %dma_wait3A_70] : memref<8x4096xf32, #tpu.memory_space<vmem>> -> memref<4x4096xf32, #tpu.memory_space<vmem>>
      %dma_wait3A_72 = arith.constant 0 : i32
      %dma_wait3A_73 = tpu.memref_slice %arg2[%add3A_68, %dma_wait3A_72] : memref<16384x4096xf32, #tpu.memory_space<hbm>> -> memref<4x4096xf32, #tpu.memory_space<hbm>>
      %dma_wait3A_74 = arith.constant 4 : i32
      %dma_wait3A_75 = arith.constant 0 : i32
      %dma_wait3A_76 = tpu.memref_slice %arg6[%dma_wait3A_74, %dma_wait3A_75] : memref<8x4096xf32, #tpu.memory_space<vmem>> -> memref<4x4096xf32, #tpu.memory_space<vmem>>
      %dma_wait3A_77 = arith.constant 0 : i32
      %dma_wait3A_78 = tpu.memref_slice %arg2[%add3A_68, %dma_wait3A_77] : memref<16384x4096xf32, #tpu.memory_space<hbm>> -> memref<4x4096xf32, #tpu.memory_space<hbm>>
      tpu.wait_dma2 semaphore(%arg11 : memref<!tpu.dma_semaphore, #tpu.memory_space<semaphore_mem>>) src(%dma_wait3A_78 : memref<4x4096xf32, #tpu.memory_space<hbm>>) dst(%dma_wait3A_76 : memref<4x4096xf32, #tpu.memory_space<vmem>>)
      %add3A_79 = arith.constant 1 : i32
      %add3A_80 = arith.addi %mul3A_48, %add3A_79 : i32
      %lt3A = arith.constant 64 : i32
      %lt3A_81 = arith.cmpi slt, %add3A_80, %lt3A : i32
      %convert_element_type3A = arith.extui %lt3A_81 : i1 to i32
      %cond3A = arith.constant 0 : i32
      %cond3A_82 = arith.cmpi ne, %convert_element_type3A, %cond3A : i32
      scf.if %cond3A_82 {
        %add3A_182 = arith.constant 1 : i32
        %add3A_183 = arith.addi %mul3A_48, %add3A_182 : i32
        %mul3A_184 = arith.constant 8 : i32
        %mul3A_185 = arith.muli %add3A_183, %mul3A_184 : i32
        %add3A_186 = arith.addi %mul3A_2, %mul3A_185 : i32
        %add3A_187 = arith.constant 0 : i32
        %add3A_188 = arith.addi %add3A_186, %add3A_187 : i32
        %dma_start3A_189 = arith.constant 0 : i32
        %dma_start3A_190 = arith.constant 0 : i32
        %dma_start3A_191 = tpu.memref_slice %arg7[%dma_start3A_189, %dma_start3A_190] : memref<8x4096xf32, #tpu.memory_space<vmem>> -> memref<4x4096xf32, #tpu.memory_space<vmem>>
        %dma_start3A_192 = arith.constant 0 : i32
        %dma_start3A_193 = tpu.memref_slice %arg2[%add3A_188, %dma_start3A_192] : memref<16384x4096xf32, #tpu.memory_space<hbm>> -> memref<4x4096xf32, #tpu.memory_space<hbm>>
        %dma_start3A_194 = arith.constant 0 : i32
        %dma_start3A_195 = arith.constant 0 : i32
        %dma_start3A_196 = tpu.memref_slice %arg7[%dma_start3A_194, %dma_start3A_195] : memref<8x4096xf32, #tpu.memory_space<vmem>> -> memref<4x4096xf32, #tpu.memory_space<vmem>>
        %dma_start3A_197 = arith.constant 0 : i32
        %dma_start3A_198 = tpu.memref_slice %arg2[%add3A_188, %dma_start3A_197] : memref<16384x4096xf32, #tpu.memory_space<hbm>> -> memref<4x4096xf32, #tpu.memory_space<hbm>>
        tpu.enqueue_dma source(%dma_start3A_198 : memref<4x4096xf32, #tpu.memory_space<hbm>>) target(%dma_start3A_196 : memref<4x4096xf32, #tpu.memory_space<vmem>>) target_semaphore(%arg12 : memref<!tpu.dma_semaphore, #tpu.memory_space<semaphore_mem>>)
        %mul3A_199 = arith.constant 8 : i32
        %mul3A_200 = arith.muli %add3A_183, %mul3A_199 : i32
        %add3A_201 = arith.addi %mul3A_2, %mul3A_200 : i32
        %add3A_202 = arith.constant 4 : i32
        %add3A_203 = arith.addi %add3A_201, %add3A_202 : i32
        %dma_start3A_204 = arith.constant 4 : i32
        %dma_start3A_205 = arith.constant 0 : i32
        %dma_start3A_206 = tpu.memref_slice %arg7[%dma_start3A_204, %dma_start3A_205] : memref<8x4096xf32, #tpu.memory_space<vmem>> -> memref<4x4096xf32, #tpu.memory_space<vmem>>
        %dma_start3A_207 = arith.constant 0 : i32
        %dma_start3A_208 = tpu.memref_slice %arg2[%add3A_203, %dma_start3A_207] : memref<16384x4096xf32, #tpu.memory_space<hbm>> -> memref<4x4096xf32, #tpu.memory_space<hbm>>
        %dma_start3A_209 = arith.constant 4 : i32
        %dma_start3A_210 = arith.constant 0 : i32
        %dma_start3A_211 = tpu.memref_slice %arg7[%dma_start3A_209, %dma_start3A_210] : memref<8x4096xf32, #tpu.memory_space<vmem>> -> memref<4x4096xf32, #tpu.memory_space<vmem>>
        %dma_start3A_212 = arith.constant 0 : i32
        %dma_start3A_213 = tpu.memref_slice %arg2[%add3A_203, %dma_start3A_212] : memref<16384x4096xf32, #tpu.memory_space<hbm>> -> memref<4x4096xf32, #tpu.memory_space<hbm>>
        tpu.enqueue_dma source(%dma_start3A_213 : memref<4x4096xf32, #tpu.memory_space<hbm>>) target(%dma_start3A_211 : memref<4x4096xf32, #tpu.memory_space<vmem>>) target_semaphore(%arg13 : memref<!tpu.dma_semaphore, #tpu.memory_space<semaphore_mem>>)
      } else {
      }
      %ge3A = arith.constant 1 : i32
      %ge3A_83 = arith.cmpi sge, %mul3A_48, %ge3A : i32
      %convert_element_type3A_84 = arith.extui %ge3A_83 : i1 to i32
      %cond3A_85 = arith.constant 0 : i32
      %cond3A_86 = arith.cmpi ne, %convert_element_type3A_84, %cond3A_85 : i32
      scf.if %cond3A_86 {
        %sub3A = arith.constant 1 : i32
        %sub3A_182 = arith.subi %mul3A_48, %sub3A : i32
        %mul3A_183 = arith.constant 8 : i32
        %mul3A_184 = arith.muli %sub3A_182, %mul3A_183 : i32
        %add3A_185 = arith.addi %mul3A_2, %mul3A_184 : i32
        %dma_wait3A_186 = arith.constant 0 : i32
        %dma_wait3A_187 = tpu.memref_slice %arg4[%add3A_185, %dma_wait3A_186] : memref<16384x4096xf32, #tpu.memory_space<hbm>> -> memref<8x2048xf32, #tpu.memory_space<hbm>>
        %dma_wait3A_188 = arith.constant 0 : i32
        %dma_wait3A_189 = tpu.memref_slice %arg4[%add3A_185, %dma_wait3A_188] : memref<16384x4096xf32, #tpu.memory_space<hbm>> -> memref<8x2048xf32, #tpu.memory_space<hbm>>
        tpu.wait_dma2 semaphore(%arg14 : memref<!tpu.dma_semaphore, #tpu.memory_space<semaphore_mem>>) src(%arg8 : memref<8x2048xf32, #tpu.memory_space<vmem>>) dst(%dma_wait3A_189 : memref<8x2048xf32, #tpu.memory_space<hbm>>)
      } else {
      }
      %parallel_loop3A = arith.constant 0 : i32
      %parallel_loop3A_87 = arith.constant 128 : i32
      %parallel_loop3A_88 = arith.constant 1 : i32
      scf.for %parallel_loop3A_182 = %parallel_loop3A to %parallel_loop3A_87 step %parallel_loop3A_88  : i32 {
        %parallel_loop3A_183 = arith.constant 16 : i32
        %parallel_loop3A_184 = arith.muli %parallel_loop3A_182, %parallel_loop3A_183 : i32
        %parallel_loop3A_185 = arith.constant 0 : i32
        %parallel_loop3A_186 = arith.addi %parallel_loop3A_185, %parallel_loop3A_184 : i32
        %parallel_loop3A_187 = arith.index_cast %parallel_loop3A_186 : i32 to index
        %parallel_loop3A_188 = tpu.vector_load %arg5[%parallel_loop3A_187] {strides = array<i32>} : memref<4096xi32, #tpu.memory_space<vmem>>, vector<16xi32>,
        %parallel_loop3A_189 = arith.constant 0 : i32
        %parallel_loop3A_190 = vector.broadcast %parallel_loop3A_189 : i32 to vector<16xi32>
        %parallel_loop3A_191 = tpu.vector_load_idx %arg6[%parallel_loop3A_190, %parallel_loop3A_188] : memref<8x4096xf32, #tpu.memory_space<vmem>>[vector<16xi32>, vector<16xi32>], vector<16xf32>,
        %parallel_loop3A_192 = arith.constant 16 : i32
        %parallel_loop3A_193 = arith.muli %parallel_loop3A_182, %parallel_loop3A_192 : i32
        %parallel_loop3A_194 = arith.constant 0 : i32
        %parallel_loop3A_195 = arith.index_cast %parallel_loop3A_194 : i32 to index
        %parallel_loop3A_196 = arith.index_cast %parallel_loop3A_193 : i32 to index
        %parallel_loop3A_197 = tpu.vector_load %arg8[%parallel_loop3A_195, %parallel_loop3A_196] {strides = array<i32>} : memref<8x2048xf32, #tpu.memory_space<vmem>>, vector<16xf32>,
        tpu.vector_store %arg8[%parallel_loop3A_195, %parallel_loop3A_196], %parallel_loop3A_191 {strides = array<i32>} : memref<8x2048xf32, #tpu.memory_space<vmem>>, vector<16xf32>,
        %parallel_loop3A_198 = arith.constant 1 : i32
        %parallel_loop3A_199 = vector.broadcast %parallel_loop3A_198 : i32 to vector<16xi32>
        %parallel_loop3A_200 = tpu.vector_load_idx %arg6[%parallel_loop3A_199, %parallel_loop3A_188] : memref<8x4096xf32, #tpu.memory_space<vmem>>[vector<16xi32>, vector<16xi32>], vector<16xf32>,
        %parallel_loop3A_201 = arith.constant 16 : i32
        %parallel_loop3A_202 = arith.muli %parallel_loop3A_182, %parallel_loop3A_201 : i32
        %parallel_loop3A_203 = arith.constant 1 : i32
        %parallel_loop3A_204 = arith.index_cast %parallel_loop3A_203 : i32 to index
        %parallel_loop3A_205 = arith.index_cast %parallel_loop3A_202 : i32 to index
        %parallel_loop3A_206 = tpu.vector_load %arg8[%parallel_loop3A_204, %parallel_loop3A_205] {strides = array<i32>} : memref<8x2048xf32, #tpu.memory_space<vmem>>, vector<16xf32>,
        tpu.vector_store %arg8[%parallel_loop3A_204, %parallel_loop3A_205], %parallel_loop3A_200 {strides = array<i32>} : memref<8x2048xf32, #tpu.memory_space<vmem>>, vector<16xf32>,
        %parallel_loop3A_207 = arith.constant 2 : i32
        %parallel_loop3A_208 = vector.broadcast %parallel_loop3A_207 : i32 to vector<16xi32>
        %parallel_loop3A_209 = tpu.vector_load_idx %arg6[%parallel_loop3A_208, %parallel_loop3A_188] : memref<8x4096xf32, #tpu.memory_space<vmem>>[vector<16xi32>, vector<16xi32>], vector<16xf32>,
        %parallel_loop3A_210 = arith.constant 16 : i32
        %parallel_loop3A_211 = arith.muli %parallel_loop3A_182, %parallel_loop3A_210 : i32
        %parallel_loop3A_212 = arith.constant 2 : i32
        %parallel_loop3A_213 = arith.index_cast %parallel_loop3A_212 : i32 to index
        %parallel_loop3A_214 = arith.index_cast %parallel_loop3A_211 : i32 to index
        %parallel_loop3A_215 = tpu.vector_load %arg8[%parallel_loop3A_213, %parallel_loop3A_214] {strides = array<i32>} : memref<8x2048xf32, #tpu.memory_space<vmem>>, vector<16xf32>,
        tpu.vector_store %arg8[%parallel_loop3A_213, %parallel_loop3A_214], %parallel_loop3A_209 {strides = array<i32>} : memref<8x2048xf32, #tpu.memory_space<vmem>>, vector<16xf32>,
        %parallel_loop3A_216 = arith.constant 3 : i32
        %parallel_loop3A_217 = vector.broadcast %parallel_loop3A_216 : i32 to vector<16xi32>
        %parallel_loop3A_218 = tpu.vector_load_idx %arg6[%parallel_loop3A_217, %parallel_loop3A_188] : memref<8x4096xf32, #tpu.memory_space<vmem>>[vector<16xi32>, vector<16xi32>], vector<16xf32>,
        %parallel_loop3A_219 = arith.constant 16 : i32
        %parallel_loop3A_220 = arith.muli %parallel_loop3A_182, %parallel_loop3A_219 : i32
        %parallel_loop3A_221 = arith.constant 3 : i32
        %parallel_loop3A_222 = arith.index_cast %parallel_loop3A_221 : i32 to index
        %parallel_loop3A_223 = arith.index_cast %parallel_loop3A_220 : i32 to index
        %parallel_loop3A_224 = tpu.vector_load %arg8[%parallel_loop3A_222, %parallel_loop3A_223] {strides = array<i32>} : memref<8x2048xf32, #tpu.memory_space<vmem>>, vector<16xf32>,
        tpu.vector_store %arg8[%parallel_loop3A_222, %parallel_loop3A_223], %parallel_loop3A_218 {strides = array<i32>} : memref<8x2048xf32, #tpu.memory_space<vmem>>, vector<16xf32>,
        %parallel_loop3A_225 = arith.constant 4 : i32
        %parallel_loop3A_226 = vector.broadcast %parallel_loop3A_225 : i32 to vector<16xi32>
        %parallel_loop3A_227 = tpu.vector_load_idx %arg6[%parallel_loop3A_226, %parallel_loop3A_188] : memref<8x4096xf32, #tpu.memory_space<vmem>>[vector<16xi32>, vector<16xi32>], vector<16xf32>,
        %parallel_loop3A_228 = arith.constant 16 : i32
        %parallel_loop3A_229 = arith.muli %parallel_loop3A_182, %parallel_loop3A_228 : i32
        %parallel_loop3A_230 = arith.constant 4 : i32
        %parallel_loop3A_231 = arith.index_cast %parallel_loop3A_230 : i32 to index
        %parallel_loop3A_232 = arith.index_cast %parallel_loop3A_229 : i32 to index
        %parallel_loop3A_233 = tpu.vector_load %arg8[%parallel_loop3A_231, %parallel_loop3A_232] {strides = array<i32>} : memref<8x2048xf32, #tpu.memory_space<vmem>>, vector<16xf32>,
        tpu.vector_store %arg8[%parallel_loop3A_231, %parallel_loop3A_232], %parallel_loop3A_227 {strides = array<i32>} : memref<8x2048xf32, #tpu.memory_space<vmem>>, vector<16xf32>,
        %parallel_loop3A_234 = arith.constant 5 : i32
        %parallel_loop3A_235 = vector.broadcast %parallel_loop3A_234 : i32 to vector<16xi32>
        %parallel_loop3A_236 = tpu.vector_load_idx %arg6[%parallel_loop3A_235, %parallel_loop3A_188] : memref<8x4096xf32, #tpu.memory_space<vmem>>[vector<16xi32>, vector<16xi32>], vector<16xf32>,
        %parallel_loop3A_237 = arith.constant 16 : i32
        %parallel_loop3A_238 = arith.muli %parallel_loop3A_182, %parallel_loop3A_237 : i32
        %parallel_loop3A_239 = arith.constant 5 : i32
        %parallel_loop3A_240 = arith.index_cast %parallel_loop3A_239 : i32 to index
        %parallel_loop3A_241 = arith.index_cast %parallel_loop3A_238 : i32 to index
        %parallel_loop3A_242 = tpu.vector_load %arg8[%parallel_loop3A_240, %parallel_loop3A_241] {strides = array<i32>} : memref<8x2048xf32, #tpu.memory_space<vmem>>, vector<16xf32>,
        tpu.vector_store %arg8[%parallel_loop3A_240, %parallel_loop3A_241], %parallel_loop3A_236 {strides = array<i32>} : memref<8x2048xf32, #tpu.memory_space<vmem>>, vector<16xf32>,
        %parallel_loop3A_243 = arith.constant 6 : i32
        %parallel_loop3A_244 = vector.broadcast %parallel_loop3A_243 : i32 to vector<16xi32>
        %parallel_loop3A_245 = tpu.vector_load_idx %arg6[%parallel_loop3A_244, %parallel_loop3A_188] : memref<8x4096xf32, #tpu.memory_space<vmem>>[vector<16xi32>, vector<16xi32>], vector<16xf32>,
        %parallel_loop3A_246 = arith.constant 16 : i32
        %parallel_loop3A_247 = arith.muli %parallel_loop3A_182, %parallel_loop3A_246 : i32
        %parallel_loop3A_248 = arith.constant 6 : i32
        %parallel_loop3A_249 = arith.index_cast %parallel_loop3A_248 : i32 to index
        %parallel_loop3A_250 = arith.index_cast %parallel_loop3A_247 : i32 to index
        %parallel_loop3A_251 = tpu.vector_load %arg8[%parallel_loop3A_249, %parallel_loop3A_250] {strides = array<i32>} : memref<8x2048xf32, #tpu.memory_space<vmem>>, vector<16xf32>,
        tpu.vector_store %arg8[%parallel_loop3A_249, %parallel_loop3A_250], %parallel_loop3A_245 {strides = array<i32>} : memref<8x2048xf32, #tpu.memory_space<vmem>>, vector<16xf32>,
        %parallel_loop3A_252 = arith.constant 7 : i32
        %parallel_loop3A_253 = vector.broadcast %parallel_loop3A_252 : i32 to vector<16xi32>
        %parallel_loop3A_254 = tpu.vector_load_idx %arg6[%parallel_loop3A_253, %parallel_loop3A_188] : memref<8x4096xf32, #tpu.memory_space<vmem>>[vector<16xi32>, vector<16xi32>], vector<16xf32>,
        %parallel_loop3A_255 = arith.constant 16 : i32
        %parallel_loop3A_256 = arith.muli %parallel_loop3A_182, %parallel_loop3A_255 : i32
        %parallel_loop3A_257 = arith.constant 7 : i32
        %parallel_loop3A_258 = arith.index_cast %parallel_loop3A_257 : i32 to index
        %parallel_loop3A_259 = arith.index_cast %parallel_loop3A_256 : i32 to index
        %parallel_loop3A_260 = tpu.vector_load %arg8[%parallel_loop3A_258, %parallel_loop3A_259] {strides = array<i32>} : memref<8x2048xf32, #tpu.memory_space<vmem>>, vector<16xf32>,
        tpu.vector_store %arg8[%parallel_loop3A_258, %parallel_loop3A_259], %parallel_loop3A_254 {strides = array<i32>} : memref<8x2048xf32, #tpu.memory_space<vmem>>, vector<16xf32>,
      } {sc.loop_unroll_factor = 8 : i64, sc.parallel_access}
      %mul3A_89 = arith.constant 8 : i32
      %mul3A_90 = arith.muli %mul3A_48, %mul3A_89 : i32
      %add3A_91 = arith.addi %mul3A_2, %mul3A_90 : i32
      %dma_start3A_92 = arith.constant 0 : i32
      %dma_start3A_93 = tpu.memref_slice %arg4[%add3A_91, %dma_start3A_92] : memref<16384x4096xf32, #tpu.memory_space<hbm>> -> memref<8x2048xf32, #tpu.memory_space<hbm>>
      %dma_start3A_94 = arith.constant 0 : i32
      %dma_start3A_95 = tpu.memref_slice %arg4[%add3A_91, %dma_start3A_94] : memref<16384x4096xf32, #tpu.memory_space<hbm>> -> memref<8x2048xf32, #tpu.memory_space<hbm>>
      tpu.enqueue_dma source(%arg8 : memref<8x2048xf32, #tpu.memory_space<vmem>>) target(%dma_start3A_95 : memref<8x2048xf32, #tpu.memory_space<hbm>>) target_semaphore(%arg14 : memref<!tpu.dma_semaphore, #tpu.memory_space<semaphore_mem>>)
      %ge3A_96 = arith.constant 1 : i32
      %ge3A_97 = arith.cmpi sge, %mul3A_48, %ge3A_96 : i32
      %convert_element_type3A_98 = arith.extui %ge3A_97 : i1 to i32
      %cond3A_99 = arith.constant 0 : i32
      %cond3A_100 = arith.cmpi ne, %convert_element_type3A_98, %cond3A_99 : i32
      scf.if %cond3A_100 {
        %sub3A = arith.constant 1 : i32
        %sub3A_182 = arith.subi %mul3A_48, %sub3A : i32
        %mul3A_183 = arith.constant 8 : i32
        %mul3A_184 = arith.muli %sub3A_182, %mul3A_183 : i32
        %add3A_185 = arith.addi %mul3A_2, %mul3A_184 : i32
        %dma_wait3A_186 = arith.constant 2048 : i32
        %dma_wait3A_187 = tpu.memref_slice %arg4[%add3A_185, %dma_wait3A_186] : memref<16384x4096xf32, #tpu.memory_space<hbm>> -> memref<8x2048xf32, #tpu.memory_space<hbm>>
        %dma_wait3A_188 = arith.constant 2048 : i32
        %dma_wait3A_189 = tpu.memref_slice %arg4[%add3A_185, %dma_wait3A_188] : memref<16384x4096xf32, #tpu.memory_space<hbm>> -> memref<8x2048xf32, #tpu.memory_space<hbm>>
        tpu.wait_dma2 semaphore(%arg15 : memref<!tpu.dma_semaphore, #tpu.memory_space<semaphore_mem>>) src(%arg9 : memref<8x2048xf32, #tpu.memory_space<vmem>>) dst(%dma_wait3A_189 : memref<8x2048xf32, #tpu.memory_space<hbm>>)
      } else {
      }
      %parallel_loop3A_101 = arith.constant 0 : i32
      %parallel_loop3A_102 = arith.constant 128 : i32
      %parallel_loop3A_103 = arith.constant 1 : i32
      scf.for %parallel_loop3A_182 = %parallel_loop3A_101 to %parallel_loop3A_102 step %parallel_loop3A_103  : i32 {
        %parallel_loop3A_183 = arith.constant 16 : i32
        %parallel_loop3A_184 = arith.muli %parallel_loop3A_182, %parallel_loop3A_183 : i32
        %parallel_loop3A_185 = arith.constant 2048 : i32
        %parallel_loop3A_186 = arith.addi %parallel_loop3A_185, %parallel_loop3A_184 : i32
        %parallel_loop3A_187 = arith.index_cast %parallel_loop3A_186 : i32 to index
        %parallel_loop3A_188 = tpu.vector_load %arg5[%parallel_loop3A_187] {strides = array<i32>} : memref<4096xi32, #tpu.memory_space<vmem>>, vector<16xi32>,
        %parallel_loop3A_189 = arith.constant 0 : i32
        %parallel_loop3A_190 = vector.broadcast %parallel_loop3A_189 : i32 to vector<16xi32>
        %parallel_loop3A_191 = tpu.vector_load_idx %arg6[%parallel_loop3A_190, %parallel_loop3A_188] : memref<8x4096xf32, #tpu.memory_space<vmem>>[vector<16xi32>, vector<16xi32>], vector<16xf32>,
        %parallel_loop3A_192 = arith.constant 16 : i32
        %parallel_loop3A_193 = arith.muli %parallel_loop3A_182, %parallel_loop3A_192 : i32
        %parallel_loop3A_194 = arith.constant 0 : i32
        %parallel_loop3A_195 = arith.index_cast %parallel_loop3A_194 : i32 to index
        %parallel_loop3A_196 = arith.index_cast %parallel_loop3A_193 : i32 to index
        %parallel_loop3A_197 = tpu.vector_load %arg9[%parallel_loop3A_195, %parallel_loop3A_196] {strides = array<i32>} : memref<8x2048xf32, #tpu.memory_space<vmem>>, vector<16xf32>,
        tpu.vector_store %arg9[%parallel_loop3A_195, %parallel_loop3A_196], %parallel_loop3A_191 {strides = array<i32>} : memref<8x2048xf32, #tpu.memory_space<vmem>>, vector<16xf32>,
        %parallel_loop3A_198 = arith.constant 1 : i32
        %parallel_loop3A_199 = vector.broadcast %parallel_loop3A_198 : i32 to vector<16xi32>
        %parallel_loop3A_200 = tpu.vector_load_idx %arg6[%parallel_loop3A_199, %parallel_loop3A_188] : memref<8x4096xf32, #tpu.memory_space<vmem>>[vector<16xi32>, vector<16xi32>], vector<16xf32>,
        %parallel_loop3A_201 = arith.constant 16 : i32
        %parallel_loop3A_202 = arith.muli %parallel_loop3A_182, %parallel_loop3A_201 : i32
        %parallel_loop3A_203 = arith.constant 1 : i32
        %parallel_loop3A_204 = arith.index_cast %parallel_loop3A_203 : i32 to index
        %parallel_loop3A_205 = arith.index_cast %parallel_loop3A_202 : i32 to index
        %parallel_loop3A_206 = tpu.vector_load %arg9[%parallel_loop3A_204, %parallel_loop3A_205] {strides = array<i32>} : memref<8x2048xf32, #tpu.memory_space<vmem>>, vector<16xf32>,
        tpu.vector_store %arg9[%parallel_loop3A_204, %parallel_loop3A_205], %parallel_loop3A_200 {strides = array<i32>} : memref<8x2048xf32, #tpu.memory_space<vmem>>, vector<16xf32>,
        %parallel_loop3A_207 = arith.constant 2 : i32
        %parallel_loop3A_208 = vector.broadcast %parallel_loop3A_207 : i32 to vector<16xi32>
        %parallel_loop3A_209 = tpu.vector_load_idx %arg6[%parallel_loop3A_208, %parallel_loop3A_188] : memref<8x4096xf32, #tpu.memory_space<vmem>>[vector<16xi32>, vector<16xi32>], vector<16xf32>,
        %parallel_loop3A_210 = arith.constant 16 : i32
        %parallel_loop3A_211 = arith.muli %parallel_loop3A_182, %parallel_loop3A_210 : i32
        %parallel_loop3A_212 = arith.constant 2 : i32
        %parallel_loop3A_213 = arith.index_cast %parallel_loop3A_212 : i32 to index
        %parallel_loop3A_214 = arith.index_cast %parallel_loop3A_211 : i32 to index
        %parallel_loop3A_215 = tpu.vector_load %arg9[%parallel_loop3A_213, %parallel_loop3A_214] {strides = array<i32>} : memref<8x2048xf32, #tpu.memory_space<vmem>>, vector<16xf32>,
        tpu.vector_store %arg9[%parallel_loop3A_213, %parallel_loop3A_214], %parallel_loop3A_209 {strides = array<i32>} : memref<8x2048xf32, #tpu.memory_space<vmem>>, vector<16xf32>,
        %parallel_loop3A_216 = arith.constant 3 : i32
        %parallel_loop3A_217 = vector.broadcast %parallel_loop3A_216 : i32 to vector<16xi32>
        %parallel_loop3A_218 = tpu.vector_load_idx %arg6[%parallel_loop3A_217, %parallel_loop3A_188] : memref<8x4096xf32, #tpu.memory_space<vmem>>[vector<16xi32>, vector<16xi32>], vector<16xf32>,
        %parallel_loop3A_219 = arith.constant 16 : i32
        %parallel_loop3A_220 = arith.muli %parallel_loop3A_182, %parallel_loop3A_219 : i32
        %parallel_loop3A_221 = arith.constant 3 : i32
        %parallel_loop3A_222 = arith.index_cast %parallel_loop3A_221 : i32 to index
        %parallel_loop3A_223 = arith.index_cast %parallel_loop3A_220 : i32 to index
        %parallel_loop3A_224 = tpu.vector_load %arg9[%parallel_loop3A_222, %parallel_loop3A_223] {strides = array<i32>} : memref<8x2048xf32, #tpu.memory_space<vmem>>, vector<16xf32>,
        tpu.vector_store %arg9[%parallel_loop3A_222, %parallel_loop3A_223], %parallel_loop3A_218 {strides = array<i32>} : memref<8x2048xf32, #tpu.memory_space<vmem>>, vector<16xf32>,
        %parallel_loop3A_225 = arith.constant 4 : i32
        %parallel_loop3A_226 = vector.broadcast %parallel_loop3A_225 : i32 to vector<16xi32>
        %parallel_loop3A_227 = tpu.vector_load_idx %arg6[%parallel_loop3A_226, %parallel_loop3A_188] : memref<8x4096xf32, #tpu.memory_space<vmem>>[vector<16xi32>, vector<16xi32>], vector<16xf32>,
        %parallel_loop3A_228 = arith.constant 16 : i32
        %parallel_loop3A_229 = arith.muli %parallel_loop3A_182, %parallel_loop3A_228 : i32
        %parallel_loop3A_230 = arith.constant 4 : i32
        %parallel_loop3A_231 = arith.index_cast %parallel_loop3A_230 : i32 to index
        %parallel_loop3A_232 = arith.index_cast %parallel_loop3A_229 : i32 to index
        %parallel_loop3A_233 = tpu.vector_load %arg9[%parallel_loop3A_231, %parallel_loop3A_232] {strides = array<i32>} : memref<8x2048xf32, #tpu.memory_space<vmem>>, vector<16xf32>,
        tpu.vector_store %arg9[%parallel_loop3A_231, %parallel_loop3A_232], %parallel_loop3A_227 {strides = array<i32>} : memref<8x2048xf32, #tpu.memory_space<vmem>>, vector<16xf32>,
        %parallel_loop3A_234 = arith.constant 5 : i32
        %parallel_loop3A_235 = vector.broadcast %parallel_loop3A_234 : i32 to vector<16xi32>
        %parallel_loop3A_236 = tpu.vector_load_idx %arg6[%parallel_loop3A_235, %parallel_loop3A_188] : memref<8x4096xf32, #tpu.memory_space<vmem>>[vector<16xi32>, vector<16xi32>], vector<16xf32>,
        %parallel_loop3A_237 = arith.constant 16 : i32
        %parallel_loop3A_238 = arith.muli %parallel_loop3A_182, %parallel_loop3A_237 : i32
        %parallel_loop3A_239 = arith.constant 5 : i32
        %parallel_loop3A_240 = arith.index_cast %parallel_loop3A_239 : i32 to index
        %parallel_loop3A_241 = arith.index_cast %parallel_loop3A_238 : i32 to index
        %parallel_loop3A_242 = tpu.vector_load %arg9[%parallel_loop3A_240, %parallel_loop3A_241] {strides = array<i32>} : memref<8x2048xf32, #tpu.memory_space<vmem>>, vector<16xf32>,
        tpu.vector_store %arg9[%parallel_loop3A_240, %parallel_loop3A_241], %parallel_loop3A_236 {strides = array<i32>} : memref<8x2048xf32, #tpu.memory_space<vmem>>, vector<16xf32>,
        %parallel_loop3A_243 = arith.constant 6 : i32
        %parallel_loop3A_244 = vector.broadcast %parallel_loop3A_243 : i32 to vector<16xi32>
        %parallel_loop3A_245 = tpu.vector_load_idx %arg6[%parallel_loop3A_244, %parallel_loop3A_188] : memref<8x4096xf32, #tpu.memory_space<vmem>>[vector<16xi32>, vector<16xi32>], vector<16xf32>,
        %parallel_loop3A_246 = arith.constant 16 : i32
        %parallel_loop3A_247 = arith.muli %parallel_loop3A_182, %parallel_loop3A_246 : i32
        %parallel_loop3A_248 = arith.constant 6 : i32
        %parallel_loop3A_249 = arith.index_cast %parallel_loop3A_248 : i32 to index
        %parallel_loop3A_250 = arith.index_cast %parallel_loop3A_247 : i32 to index
        %parallel_loop3A_251 = tpu.vector_load %arg9[%parallel_loop3A_249, %parallel_loop3A_250] {strides = array<i32>} : memref<8x2048xf32, #tpu.memory_space<vmem>>, vector<16xf32>,
        tpu.vector_store %arg9[%parallel_loop3A_249, %parallel_loop3A_250], %parallel_loop3A_245 {strides = array<i32>} : memref<8x2048xf32, #tpu.memory_space<vmem>>, vector<16xf32>,
        %parallel_loop3A_252 = arith.constant 7 : i32
        %parallel_loop3A_253 = vector.broadcast %parallel_loop3A_252 : i32 to vector<16xi32>
        %parallel_loop3A_254 = tpu.vector_load_idx %arg6[%parallel_loop3A_253, %parallel_loop3A_188] : memref<8x4096xf32, #tpu.memory_space<vmem>>[vector<16xi32>, vector<16xi32>], vector<16xf32>,
        %parallel_loop3A_255 = arith.constant 16 : i32
        %parallel_loop3A_256 = arith.muli %parallel_loop3A_182, %parallel_loop3A_255 : i32
        %parallel_loop3A_257 = arith.constant 7 : i32
        %parallel_loop3A_258 = arith.index_cast %parallel_loop3A_257 : i32 to index
        %parallel_loop3A_259 = arith.index_cast %parallel_loop3A_256 : i32 to index
        %parallel_loop3A_260 = tpu.vector_load %arg9[%parallel_loop3A_258, %parallel_loop3A_259] {strides = array<i32>} : memref<8x2048xf32, #tpu.memory_space<vmem>>, vector<16xf32>,
        tpu.vector_store %arg9[%parallel_loop3A_258, %parallel_loop3A_259], %parallel_loop3A_254 {strides = array<i32>} : memref<8x2048xf32, #tpu.memory_space<vmem>>, vector<16xf32>,
      } {sc.loop_unroll_factor = 8 : i64, sc.parallel_access}
      %mul3A_104 = arith.constant 8 : i32
      %mul3A_105 = arith.muli %mul3A_48, %mul3A_104 : i32
      %add3A_106 = arith.addi %mul3A_2, %mul3A_105 : i32
      %dma_start3A_107 = arith.constant 2048 : i32
      %dma_start3A_108 = tpu.memref_slice %arg4[%add3A_106, %dma_start3A_107] : memref<16384x4096xf32, #tpu.memory_space<hbm>> -> memref<8x2048xf32, #tpu.memory_space<hbm>>
      %dma_start3A_109 = arith.constant 2048 : i32
      %dma_start3A_110 = tpu.memref_slice %arg4[%add3A_106, %dma_start3A_109] : memref<16384x4096xf32, #tpu.memory_space<hbm>> -> memref<8x2048xf32, #tpu.memory_space<hbm>>
      tpu.enqueue_dma source(%arg9 : memref<8x2048xf32, #tpu.memory_space<vmem>>) target(%dma_start3A_110 : memref<8x2048xf32, #tpu.memory_space<hbm>>) target_semaphore(%arg15 : memref<!tpu.dma_semaphore, #tpu.memory_space<semaphore_mem>>)
      %mul3A_111 = arith.constant 2 : i32
      %mul3A_112 = arith.muli %mul3A_111, %scan3A_46 : i32
      %add3A_113 = arith.constant 1 : i32
      %add3A_114 = arith.addi %mul3A_112, %add3A_113 : i32
      %mul3A_115 = arith.constant 8 : i32
      %mul3A_116 = arith.muli %add3A_114, %mul3A_115 : i32
      %add3A_117 = arith.addi %mul3A_2, %mul3A_116 : i32
      %add3A_118 = arith.constant 0 : i32
      %add3A_119 = arith.addi %add3A_117, %add3A_118 : i32
      %dma_wait3A_120 = arith.constant 0 : i32
      %dma_wait3A_121 = arith.constant 0 : i32
      %dma_wait3A_122 = tpu.memref_slice %arg7[%dma_wait3A_120, %dma_wait3A_121] : memref<8x4096xf32, #tpu.memory_space<vmem>> -> memref<4x4096xf32, #tpu.memory_space<vmem>>
      %dma_wait3A_123 = arith.constant 0 : i32
      %dma_wait3A_124 = tpu.memref_slice %arg2[%add3A_119, %dma_wait3A_123] : memref<16384x4096xf32, #tpu.memory_space<hbm>> -> memref<4x4096xf32, #tpu.memory_space<hbm>>
      %dma_wait3A_125 = arith.constant 0 : i32
      %dma_wait3A_126 = arith.constant 0 : i32
      %dma_wait3A_127 = tpu.memref_slice %arg7[%dma_wait3A_125, %dma_wait3A_126] : memref<8x4096xf32, #tpu.memory_space<vmem>> -> memref<4x4096xf32, #tpu.memory_space<vmem>>
      %dma_wait3A_128 = arith.constant 0 : i32
      %dma_wait3A_129 = tpu.memref_slice %arg2[%add3A_119, %dma_wait3A_128] : memref<16384x4096xf32, #tpu.memory_space<hbm>> -> memref<4x4096xf32, #tpu.memory_space<hbm>>
      tpu.wait_dma2 semaphore(%arg12 : memref<!tpu.dma_semaphore, #tpu.memory_space<semaphore_mem>>) src(%dma_wait3A_129 : memref<4x4096xf32, #tpu.memory_space<hbm>>) dst(%dma_wait3A_127 : memref<4x4096xf32, #tpu.memory_space<vmem>>)
      %mul3A_130 = arith.constant 8 : i32
      %mul3A_131 = arith.muli %add3A_114, %mul3A_130 : i32
      %add3A_132 = arith.addi %mul3A_2, %mul3A_131 : i32
      %add3A_133 = arith.constant 4 : i32
      %add3A_134 = arith.addi %add3A_132, %add3A_133 : i32
      %dma_wait3A_135 = arith.constant 4 : i32
      %dma_wait3A_136 = arith.constant 0 : i32
      %dma_wait3A_137 = tpu.memref_slice %arg7[%dma_wait3A_135, %dma_wait3A_136] : memref<8x4096xf32, #tpu.memory_space<vmem>> -> memref<4x4096xf32, #tpu.memory_space<vmem>>
      %dma_wait3A_138 = arith.constant 0 : i32
      %dma_wait3A_139 = tpu.memref_slice %arg2[%add3A_134, %dma_wait3A_138] : memref<16384x4096xf32, #tpu.memory_space<hbm>> -> memref<4x4096xf32, #tpu.memory_space<hbm>>
      %dma_wait3A_140 = arith.constant 4 : i32
      %dma_wait3A_141 = arith.constant 0 : i32
      %dma_wait3A_142 = tpu.memref_slice %arg7[%dma_wait3A_140, %dma_wait3A_141] : memref<8x4096xf32, #tpu.memory_space<vmem>> -> memref<4x4096xf32, #tpu.memory_space<vmem>>
      %dma_wait3A_143 = arith.constant 0 : i32
      %dma_wait3A_144 = tpu.memref_slice %arg2[%add3A_134, %dma_wait3A_143] : memref<16384x4096xf32, #tpu.memory_space<hbm>> -> memref<4x4096xf32, #tpu.memory_space<hbm>>
      tpu.wait_dma2 semaphore(%arg13 : memref<!tpu.dma_semaphore, #tpu.memory_space<semaphore_mem>>) src(%dma_wait3A_144 : memref<4x4096xf32, #tpu.memory_space<hbm>>) dst(%dma_wait3A_142 : memref<4x4096xf32, #tpu.memory_space<vmem>>)
      %add3A_145 = arith.constant 1 : i32
      %add3A_146 = arith.addi %add3A_114, %add3A_145 : i32
      %lt3A_147 = arith.constant 64 : i32
      %lt3A_148 = arith.cmpi slt, %add3A_146, %lt3A_147 : i32
      %convert_element_type3A_149 = arith.extui %lt3A_148 : i1 to i32
      %cond3A_150 = arith.constant 0 : i32
      %cond3A_151 = arith.cmpi ne, %convert_element_type3A_149, %cond3A_150 : i32
      scf.if %cond3A_151 {
        %add3A_182 = arith.constant 1 : i32
        %add3A_183 = arith.addi %add3A_114, %add3A_182 : i32
        %mul3A_184 = arith.constant 8 : i32
        %mul3A_185 = arith.muli %add3A_183, %mul3A_184 : i32
        %add3A_186 = arith.addi %mul3A_2, %mul3A_185 : i32
        %add3A_187 = arith.constant 0 : i32
        %add3A_188 = arith.addi %add3A_186, %add3A_187 : i32
        %dma_start3A_189 = arith.constant 0 : i32
        %dma_start3A_190 = arith.constant 0 : i32
        %dma_start3A_191 = tpu.memref_slice %arg6[%dma_start3A_189, %dma_start3A_190] : memref<8x4096xf32, #tpu.memory_space<vmem>> -> memref<4x4096xf32, #tpu.memory_space<vmem>>
        %dma_start3A_192 = arith.constant 0 : i32
        %dma_start3A_193 = tpu.memref_slice %arg2[%add3A_188, %dma_start3A_192] : memref<16384x4096xf32, #tpu.memory_space<hbm>> -> memref<4x4096xf32, #tpu.memory_space<hbm>>
        %dma_start3A_194 = arith.constant 0 : i32
        %dma_start3A_195 = arith.constant 0 : i32
        %dma_start3A_196 = tpu.memref_slice %arg6[%dma_start3A_194, %dma_start3A_195] : memref<8x4096xf32, #tpu.memory_space<vmem>> -> memref<4x4096xf32, #tpu.memory_space<vmem>>
        %dma_start3A_197 = arith.constant 0 : i32
        %dma_start3A_198 = tpu.memref_slice %arg2[%add3A_188, %dma_start3A_197] : memref<16384x4096xf32, #tpu.memory_space<hbm>> -> memref<4x4096xf32, #tpu.memory_space<hbm>>
        tpu.enqueue_dma source(%dma_start3A_198 : memref<4x4096xf32, #tpu.memory_space<hbm>>) target(%dma_start3A_196 : memref<4x4096xf32, #tpu.memory_space<vmem>>) target_semaphore(%arg10 : memref<!tpu.dma_semaphore, #tpu.memory_space<semaphore_mem>>)
        %mul3A_199 = arith.constant 8 : i32
        %mul3A_200 = arith.muli %add3A_183, %mul3A_199 : i32
        %add3A_201 = arith.addi %mul3A_2, %mul3A_200 : i32
        %add3A_202 = arith.constant 4 : i32
        %add3A_203 = arith.addi %add3A_201, %add3A_202 : i32
        %dma_start3A_204 = arith.constant 4 : i32
        %dma_start3A_205 = arith.constant 0 : i32
        %dma_start3A_206 = tpu.memref_slice %arg6[%dma_start3A_204, %dma_start3A_205] : memref<8x4096xf32, #tpu.memory_space<vmem>> -> memref<4x4096xf32, #tpu.memory_space<vmem>>
        %dma_start3A_207 = arith.constant 0 : i32
        %dma_start3A_208 = tpu.memref_slice %arg2[%add3A_203, %dma_start3A_207] : memref<16384x4096xf32, #tpu.memory_space<hbm>> -> memref<4x4096xf32, #tpu.memory_space<hbm>>
        %dma_start3A_209 = arith.constant 4 : i32
        %dma_start3A_210 = arith.constant 0 : i32
        %dma_start3A_211 = tpu.memref_slice %arg6[%dma_start3A_209, %dma_start3A_210] : memref<8x4096xf32, #tpu.memory_space<vmem>> -> memref<4x4096xf32, #tpu.memory_space<vmem>>
        %dma_start3A_212 = arith.constant 0 : i32
        %dma_start3A_213 = tpu.memref_slice %arg2[%add3A_203, %dma_start3A_212] : memref<16384x4096xf32, #tpu.memory_space<hbm>> -> memref<4x4096xf32, #tpu.memory_space<hbm>>
        tpu.enqueue_dma source(%dma_start3A_213 : memref<4x4096xf32, #tpu.memory_space<hbm>>) target(%dma_start3A_211 : memref<4x4096xf32, #tpu.memory_space<vmem>>) target_semaphore(%arg11 : memref<!tpu.dma_semaphore, #tpu.memory_space<semaphore_mem>>)
      } else {
      }
      %ge3A_152 = arith.constant 1 : i32
      %ge3A_153 = arith.cmpi sge, %add3A_114, %ge3A_152 : i32
      %convert_element_type3A_154 = arith.extui %ge3A_153 : i1 to i32
      %cond3A_155 = arith.constant 0 : i32
      %cond3A_156 = arith.cmpi ne, %convert_element_type3A_154, %cond3A_155 : i32
      scf.if %cond3A_156 {
        %sub3A = arith.constant 1 : i32
        %sub3A_182 = arith.subi %add3A_114, %sub3A : i32
        %mul3A_183 = arith.constant 8 : i32
        %mul3A_184 = arith.muli %sub3A_182, %mul3A_183 : i32
        %add3A_185 = arith.addi %mul3A_2, %mul3A_184 : i32
        %dma_wait3A_186 = arith.constant 0 : i32
        %dma_wait3A_187 = tpu.memref_slice %arg4[%add3A_185, %dma_wait3A_186] : memref<16384x4096xf32, #tpu.memory_space<hbm>> -> memref<8x2048xf32, #tpu.memory_space<hbm>>
        %dma_wait3A_188 = arith.constant 0 : i32
        %dma_wait3A_189 = tpu.memref_slice %arg4[%add3A_185, %dma_wait3A_188] : memref<16384x4096xf32, #tpu.memory_space<hbm>> -> memref<8x2048xf32, #tpu.memory_space<hbm>>
        tpu.wait_dma2 semaphore(%arg14 : memref<!tpu.dma_semaphore, #tpu.memory_space<semaphore_mem>>) src(%arg8 : memref<8x2048xf32, #tpu.memory_space<vmem>>) dst(%dma_wait3A_189 : memref<8x2048xf32, #tpu.memory_space<hbm>>)
      } else {
      }
      %parallel_loop3A_157 = arith.constant 0 : i32
      %parallel_loop3A_158 = arith.constant 128 : i32
      %parallel_loop3A_159 = arith.constant 1 : i32
      scf.for %parallel_loop3A_182 = %parallel_loop3A_157 to %parallel_loop3A_158 step %parallel_loop3A_159  : i32 {
        %parallel_loop3A_183 = arith.constant 16 : i32
        %parallel_loop3A_184 = arith.muli %parallel_loop3A_182, %parallel_loop3A_183 : i32
        %parallel_loop3A_185 = arith.constant 0 : i32
        %parallel_loop3A_186 = arith.addi %parallel_loop3A_185, %parallel_loop3A_184 : i32
        %parallel_loop3A_187 = arith.index_cast %parallel_loop3A_186 : i32 to index
        %parallel_loop3A_188 = tpu.vector_load %arg5[%parallel_loop3A_187] {strides = array<i32>} : memref<4096xi32, #tpu.memory_space<vmem>>, vector<16xi32>,
        %parallel_loop3A_189 = arith.constant 0 : i32
        %parallel_loop3A_190 = vector.broadcast %parallel_loop3A_189 : i32 to vector<16xi32>
        %parallel_loop3A_191 = tpu.vector_load_idx %arg7[%parallel_loop3A_190, %parallel_loop3A_188] : memref<8x4096xf32, #tpu.memory_space<vmem>>[vector<16xi32>, vector<16xi32>], vector<16xf32>,
        %parallel_loop3A_192 = arith.constant 16 : i32
        %parallel_loop3A_193 = arith.muli %parallel_loop3A_182, %parallel_loop3A_192 : i32
        %parallel_loop3A_194 = arith.constant 0 : i32
        %parallel_loop3A_195 = arith.index_cast %parallel_loop3A_194 : i32 to index
        %parallel_loop3A_196 = arith.index_cast %parallel_loop3A_193 : i32 to index
        %parallel_loop3A_197 = tpu.vector_load %arg8[%parallel_loop3A_195, %parallel_loop3A_196] {strides = array<i32>} : memref<8x2048xf32, #tpu.memory_space<vmem>>, vector<16xf32>,
        tpu.vector_store %arg8[%parallel_loop3A_195, %parallel_loop3A_196], %parallel_loop3A_191 {strides = array<i32>} : memref<8x2048xf32, #tpu.memory_space<vmem>>, vector<16xf32>,
        %parallel_loop3A_198 = arith.constant 1 : i32
        %parallel_loop3A_199 = vector.broadcast %parallel_loop3A_198 : i32 to vector<16xi32>
        %parallel_loop3A_200 = tpu.vector_load_idx %arg7[%parallel_loop3A_199, %parallel_loop3A_188] : memref<8x4096xf32, #tpu.memory_space<vmem>>[vector<16xi32>, vector<16xi32>], vector<16xf32>,
        %parallel_loop3A_201 = arith.constant 16 : i32
        %parallel_loop3A_202 = arith.muli %parallel_loop3A_182, %parallel_loop3A_201 : i32
        %parallel_loop3A_203 = arith.constant 1 : i32
        %parallel_loop3A_204 = arith.index_cast %parallel_loop3A_203 : i32 to index
        %parallel_loop3A_205 = arith.index_cast %parallel_loop3A_202 : i32 to index
        %parallel_loop3A_206 = tpu.vector_load %arg8[%parallel_loop3A_204, %parallel_loop3A_205] {strides = array<i32>} : memref<8x2048xf32, #tpu.memory_space<vmem>>, vector<16xf32>,
        tpu.vector_store %arg8[%parallel_loop3A_204, %parallel_loop3A_205], %parallel_loop3A_200 {strides = array<i32>} : memref<8x2048xf32, #tpu.memory_space<vmem>>, vector<16xf32>,
        %parallel_loop3A_207 = arith.constant 2 : i32
        %parallel_loop3A_208 = vector.broadcast %parallel_loop3A_207 : i32 to vector<16xi32>
        %parallel_loop3A_209 = tpu.vector_load_idx %arg7[%parallel_loop3A_208, %parallel_loop3A_188] : memref<8x4096xf32, #tpu.memory_space<vmem>>[vector<16xi32>, vector<16xi32>], vector<16xf32>,
        %parallel_loop3A_210 = arith.constant 16 : i32
        %parallel_loop3A_211 = arith.muli %parallel_loop3A_182, %parallel_loop3A_210 : i32
        %parallel_loop3A_212 = arith.constant 2 : i32
        %parallel_loop3A_213 = arith.index_cast %parallel_loop3A_212 : i32 to index
        %parallel_loop3A_214 = arith.index_cast %parallel_loop3A_211 : i32 to index
        %parallel_loop3A_215 = tpu.vector_load %arg8[%parallel_loop3A_213, %parallel_loop3A_214] {strides = array<i32>} : memref<8x2048xf32, #tpu.memory_space<vmem>>, vector<16xf32>,
        tpu.vector_store %arg8[%parallel_loop3A_213, %parallel_loop3A_214], %parallel_loop3A_209 {strides = array<i32>} : memref<8x2048xf32, #tpu.memory_space<vmem>>, vector<16xf32>,
        %parallel_loop3A_216 = arith.constant 3 : i32
        %parallel_loop3A_217 = vector.broadcast %parallel_loop3A_216 : i32 to vector<16xi32>
        %parallel_loop3A_218 = tpu.vector_load_idx %arg7[%parallel_loop3A_217, %parallel_loop3A_188] : memref<8x4096xf32, #tpu.memory_space<vmem>>[vector<16xi32>, vector<16xi32>], vector<16xf32>,
        %parallel_loop3A_219 = arith.constant 16 : i32
        %parallel_loop3A_220 = arith.muli %parallel_loop3A_182, %parallel_loop3A_219 : i32
        %parallel_loop3A_221 = arith.constant 3 : i32
        %parallel_loop3A_222 = arith.index_cast %parallel_loop3A_221 : i32 to index
        %parallel_loop3A_223 = arith.index_cast %parallel_loop3A_220 : i32 to index
        %parallel_loop3A_224 = tpu.vector_load %arg8[%parallel_loop3A_222, %parallel_loop3A_223] {strides = array<i32>} : memref<8x2048xf32, #tpu.memory_space<vmem>>, vector<16xf32>,
        tpu.vector_store %arg8[%parallel_loop3A_222, %parallel_loop3A_223], %parallel_loop3A_218 {strides = array<i32>} : memref<8x2048xf32, #tpu.memory_space<vmem>>, vector<16xf32>,
        %parallel_loop3A_225 = arith.constant 4 : i32
        %parallel_loop3A_226 = vector.broadcast %parallel_loop3A_225 : i32 to vector<16xi32>
        %parallel_loop3A_227 = tpu.vector_load_idx %arg7[%parallel_loop3A_226, %parallel_loop3A_188] : memref<8x4096xf32, #tpu.memory_space<vmem>>[vector<16xi32>, vector<16xi32>], vector<16xf32>,
        %parallel_loop3A_228 = arith.constant 16 : i32
        %parallel_loop3A_229 = arith.muli %parallel_loop3A_182, %parallel_loop3A_228 : i32
        %parallel_loop3A_230 = arith.constant 4 : i32
        %parallel_loop3A_231 = arith.index_cast %parallel_loop3A_230 : i32 to index
        %parallel_loop3A_232 = arith.index_cast %parallel_loop3A_229 : i32 to index
        %parallel_loop3A_233 = tpu.vector_load %arg8[%parallel_loop3A_231, %parallel_loop3A_232] {strides = array<i32>} : memref<8x2048xf32, #tpu.memory_space<vmem>>, vector<16xf32>,
        tpu.vector_store %arg8[%parallel_loop3A_231, %parallel_loop3A_232], %parallel_loop3A_227 {strides = array<i32>} : memref<8x2048xf32, #tpu.memory_space<vmem>>, vector<16xf32>,
        %parallel_loop3A_234 = arith.constant 5 : i32
        %parallel_loop3A_235 = vector.broadcast %parallel_loop3A_234 : i32 to vector<16xi32>
        %parallel_loop3A_236 = tpu.vector_load_idx %arg7[%parallel_loop3A_235, %parallel_loop3A_188] : memref<8x4096xf32, #tpu.memory_space<vmem>>[vector<16xi32>, vector<16xi32>], vector<16xf32>,
        %parallel_loop3A_237 = arith.constant 16 : i32
        %parallel_loop3A_238 = arith.muli %parallel_loop3A_182, %parallel_loop3A_237 : i32
        %parallel_loop3A_239 = arith.constant 5 : i32
        %parallel_loop3A_240 = arith.index_cast %parallel_loop3A_239 : i32 to index
        %parallel_loop3A_241 = arith.index_cast %parallel_loop3A_238 : i32 to index
        %parallel_loop3A_242 = tpu.vector_load %arg8[%parallel_loop3A_240, %parallel_loop3A_241] {strides = array<i32>} : memref<8x2048xf32, #tpu.memory_space<vmem>>, vector<16xf32>,
        tpu.vector_store %arg8[%parallel_loop3A_240, %parallel_loop3A_241], %parallel_loop3A_236 {strides = array<i32>} : memref<8x2048xf32, #tpu.memory_space<vmem>>, vector<16xf32>,
        %parallel_loop3A_243 = arith.constant 6 : i32
        %parallel_loop3A_244 = vector.broadcast %parallel_loop3A_243 : i32 to vector<16xi32>
        %parallel_loop3A_245 = tpu.vector_load_idx %arg7[%parallel_loop3A_244, %parallel_loop3A_188] : memref<8x4096xf32, #tpu.memory_space<vmem>>[vector<16xi32>, vector<16xi32>], vector<16xf32>,
        %parallel_loop3A_246 = arith.constant 16 : i32
        %parallel_loop3A_247 = arith.muli %parallel_loop3A_182, %parallel_loop3A_246 : i32
        %parallel_loop3A_248 = arith.constant 6 : i32
        %parallel_loop3A_249 = arith.index_cast %parallel_loop3A_248 : i32 to index
        %parallel_loop3A_250 = arith.index_cast %parallel_loop3A_247 : i32 to index
        %parallel_loop3A_251 = tpu.vector_load %arg8[%parallel_loop3A_249, %parallel_loop3A_250] {strides = array<i32>} : memref<8x2048xf32, #tpu.memory_space<vmem>>, vector<16xf32>,
        tpu.vector_store %arg8[%parallel_loop3A_249, %parallel_loop3A_250], %parallel_loop3A_245 {strides = array<i32>} : memref<8x2048xf32, #tpu.memory_space<vmem>>, vector<16xf32>,
        %parallel_loop3A_252 = arith.constant 7 : i32
        %parallel_loop3A_253 = vector.broadcast %parallel_loop3A_252 : i32 to vector<16xi32>
        %parallel_loop3A_254 = tpu.vector_load_idx %arg7[%parallel_loop3A_253, %parallel_loop3A_188] : memref<8x4096xf32, #tpu.memory_space<vmem>>[vector<16xi32>, vector<16xi32>], vector<16xf32>,
        %parallel_loop3A_255 = arith.constant 16 : i32
        %parallel_loop3A_256 = arith.muli %parallel_loop3A_182, %parallel_loop3A_255 : i32
        %parallel_loop3A_257 = arith.constant 7 : i32
        %parallel_loop3A_258 = arith.index_cast %parallel_loop3A_257 : i32 to index
        %parallel_loop3A_259 = arith.index_cast %parallel_loop3A_256 : i32 to index
        %parallel_loop3A_260 = tpu.vector_load %arg8[%parallel_loop3A_258, %parallel_loop3A_259] {strides = array<i32>} : memref<8x2048xf32, #tpu.memory_space<vmem>>, vector<16xf32>,
        tpu.vector_store %arg8[%parallel_loop3A_258, %parallel_loop3A_259], %parallel_loop3A_254 {strides = array<i32>} : memref<8x2048xf32, #tpu.memory_space<vmem>>, vector<16xf32>,
      } {sc.loop_unroll_factor = 8 : i64, sc.parallel_access}
      %mul3A_160 = arith.constant 8 : i32
      %mul3A_161 = arith.muli %add3A_114, %mul3A_160 : i32
      %add3A_162 = arith.addi %mul3A_2, %mul3A_161 : i32
      %dma_start3A_163 = arith.constant 0 : i32
      %dma_start3A_164 = tpu.memref_slice %arg4[%add3A_162, %dma_start3A_163] : memref<16384x4096xf32, #tpu.memory_space<hbm>> -> memref<8x2048xf32, #tpu.memory_space<hbm>>
      %dma_start3A_165 = arith.constant 0 : i32
      %dma_start3A_166 = tpu.memref_slice %arg4[%add3A_162, %dma_start3A_165] : memref<16384x4096xf32, #tpu.memory_space<hbm>> -> memref<8x2048xf32, #tpu.memory_space<hbm>>
      tpu.enqueue_dma source(%arg8 : memref<8x2048xf32, #tpu.memory_space<vmem>>) target(%dma_start3A_166 : memref<8x2048xf32, #tpu.memory_space<hbm>>) target_semaphore(%arg14 : memref<!tpu.dma_semaphore, #tpu.memory_space<semaphore_mem>>)
      %ge3A_167 = arith.constant 1 : i32
      %ge3A_168 = arith.cmpi sge, %add3A_114, %ge3A_167 : i32
      %convert_element_type3A_169 = arith.extui %ge3A_168 : i1 to i32
      %cond3A_170 = arith.constant 0 : i32
      %cond3A_171 = arith.cmpi ne, %convert_element_type3A_169, %cond3A_170 : i32
      scf.if %cond3A_171 {
        %sub3A = arith.constant 1 : i32
        %sub3A_182 = arith.subi %add3A_114, %sub3A : i32
        %mul3A_183 = arith.constant 8 : i32
        %mul3A_184 = arith.muli %sub3A_182, %mul3A_183 : i32
        %add3A_185 = arith.addi %mul3A_2, %mul3A_184 : i32
        %dma_wait3A_186 = arith.constant 2048 : i32
        %dma_wait3A_187 = tpu.memref_slice %arg4[%add3A_185, %dma_wait3A_186] : memref<16384x4096xf32, #tpu.memory_space<hbm>> -> memref<8x2048xf32, #tpu.memory_space<hbm>>
        %dma_wait3A_188 = arith.constant 2048 : i32
        %dma_wait3A_189 = tpu.memref_slice %arg4[%add3A_185, %dma_wait3A_188] : memref<16384x4096xf32, #tpu.memory_space<hbm>> -> memref<8x2048xf32, #tpu.memory_space<hbm>>
        tpu.wait_dma2 semaphore(%arg15 : memref<!tpu.dma_semaphore, #tpu.memory_space<semaphore_mem>>) src(%arg9 : memref<8x2048xf32, #tpu.memory_space<vmem>>) dst(%dma_wait3A_189 : memref<8x2048xf32, #tpu.memory_space<hbm>>)
      } else {
      }
      %parallel_loop3A_172 = arith.constant 0 : i32
      %parallel_loop3A_173 = arith.constant 128 : i32
      %parallel_loop3A_174 = arith.constant 1 : i32
      scf.for %parallel_loop3A_182 = %parallel_loop3A_172 to %parallel_loop3A_173 step %parallel_loop3A_174  : i32 {
        %parallel_loop3A_183 = arith.constant 16 : i32
        %parallel_loop3A_184 = arith.muli %parallel_loop3A_182, %parallel_loop3A_183 : i32
        %parallel_loop3A_185 = arith.constant 2048 : i32
        %parallel_loop3A_186 = arith.addi %parallel_loop3A_185, %parallel_loop3A_184 : i32
        %parallel_loop3A_187 = arith.index_cast %parallel_loop3A_186 : i32 to index
        %parallel_loop3A_188 = tpu.vector_load %arg5[%parallel_loop3A_187] {strides = array<i32>} : memref<4096xi32, #tpu.memory_space<vmem>>, vector<16xi32>,
        %parallel_loop3A_189 = arith.constant 0 : i32
        %parallel_loop3A_190 = vector.broadcast %parallel_loop3A_189 : i32 to vector<16xi32>
        %parallel_loop3A_191 = tpu.vector_load_idx %arg7[%parallel_loop3A_190, %parallel_loop3A_188] : memref<8x4096xf32, #tpu.memory_space<vmem>>[vector<16xi32>, vector<16xi32>], vector<16xf32>,
        %parallel_loop3A_192 = arith.constant 16 : i32
        %parallel_loop3A_193 = arith.muli %parallel_loop3A_182, %parallel_loop3A_192 : i32
        %parallel_loop3A_194 = arith.constant 0 : i32
        %parallel_loop3A_195 = arith.index_cast %parallel_loop3A_194 : i32 to index
        %parallel_loop3A_196 = arith.index_cast %parallel_loop3A_193 : i32 to index
        %parallel_loop3A_197 = tpu.vector_load %arg9[%parallel_loop3A_195, %parallel_loop3A_196] {strides = array<i32>} : memref<8x2048xf32, #tpu.memory_space<vmem>>, vector<16xf32>,
        tpu.vector_store %arg9[%parallel_loop3A_195, %parallel_loop3A_196], %parallel_loop3A_191 {strides = array<i32>} : memref<8x2048xf32, #tpu.memory_space<vmem>>, vector<16xf32>,
        %parallel_loop3A_198 = arith.constant 1 : i32
        %parallel_loop3A_199 = vector.broadcast %parallel_loop3A_198 : i32 to vector<16xi32>
        %parallel_loop3A_200 = tpu.vector_load_idx %arg7[%parallel_loop3A_199, %parallel_loop3A_188] : memref<8x4096xf32, #tpu.memory_space<vmem>>[vector<16xi32>, vector<16xi32>], vector<16xf32>,
        %parallel_loop3A_201 = arith.constant 16 : i32
        %parallel_loop3A_202 = arith.muli %parallel_loop3A_182, %parallel_loop3A_201 : i32
        %parallel_loop3A_203 = arith.constant 1 : i32
        %parallel_loop3A_204 = arith.index_cast %parallel_loop3A_203 : i32 to index
        %parallel_loop3A_205 = arith.index_cast %parallel_loop3A_202 : i32 to index
        %parallel_loop3A_206 = tpu.vector_load %arg9[%parallel_loop3A_204, %parallel_loop3A_205] {strides = array<i32>} : memref<8x2048xf32, #tpu.memory_space<vmem>>, vector<16xf32>,
        tpu.vector_store %arg9[%parallel_loop3A_204, %parallel_loop3A_205], %parallel_loop3A_200 {strides = array<i32>} : memref<8x2048xf32, #tpu.memory_space<vmem>>, vector<16xf32>,
        %parallel_loop3A_207 = arith.constant 2 : i32
        %parallel_loop3A_208 = vector.broadcast %parallel_loop3A_207 : i32 to vector<16xi32>
        %parallel_loop3A_209 = tpu.vector_load_idx %arg7[%parallel_loop3A_208, %parallel_loop3A_188] : memref<8x4096xf32, #tpu.memory_space<vmem>>[vector<16xi32>, vector<16xi32>], vector<16xf32>,
        %parallel_loop3A_210 = arith.constant 16 : i32
        %parallel_loop3A_211 = arith.muli %parallel_loop3A_182, %parallel_loop3A_210 : i32
        %parallel_loop3A_212 = arith.constant 2 : i32
        %parallel_loop3A_213 = arith.index_cast %parallel_loop3A_212 : i32 to index
        %parallel_loop3A_214 = arith.index_cast %parallel_loop3A_211 : i32 to index
        %parallel_loop3A_215 = tpu.vector_load %arg9[%parallel_loop3A_213, %parallel_loop3A_214] {strides = array<i32>} : memref<8x2048xf32, #tpu.memory_space<vmem>>, vector<16xf32>,
        tpu.vector_store %arg9[%parallel_loop3A_213, %parallel_loop3A_214], %parallel_loop3A_209 {strides = array<i32>} : memref<8x2048xf32, #tpu.memory_space<vmem>>, vector<16xf32>,
        %parallel_loop3A_216 = arith.constant 3 : i32
        %parallel_loop3A_217 = vector.broadcast %parallel_loop3A_216 : i32 to vector<16xi32>
        %parallel_loop3A_218 = tpu.vector_load_idx %arg7[%parallel_loop3A_217, %parallel_loop3A_188] : memref<8x4096xf32, #tpu.memory_space<vmem>>[vector<16xi32>, vector<16xi32>], vector<16xf32>,
        %parallel_loop3A_219 = arith.constant 16 : i32
        %parallel_loop3A_220 = arith.muli %parallel_loop3A_182, %parallel_loop3A_219 : i32
        %parallel_loop3A_221 = arith.constant 3 : i32
        %parallel_loop3A_222 = arith.index_cast %parallel_loop3A_221 : i32 to index
        %parallel_loop3A_223 = arith.index_cast %parallel_loop3A_220 : i32 to index
        %parallel_loop3A_224 = tpu.vector_load %arg9[%parallel_loop3A_222, %parallel_loop3A_223] {strides = array<i32>} : memref<8x2048xf32, #tpu.memory_space<vmem>>, vector<16xf32>,
        tpu.vector_store %arg9[%parallel_loop3A_222, %parallel_loop3A_223], %parallel_loop3A_218 {strides = array<i32>} : memref<8x2048xf32, #tpu.memory_space<vmem>>, vector<16xf32>,
        %parallel_loop3A_225 = arith.constant 4 : i32
        %parallel_loop3A_226 = vector.broadcast %parallel_loop3A_225 : i32 to vector<16xi32>
        %parallel_loop3A_227 = tpu.vector_load_idx %arg7[%parallel_loop3A_226, %parallel_loop3A_188] : memref<8x4096xf32, #tpu.memory_space<vmem>>[vector<16xi32>, vector<16xi32>], vector<16xf32>,
        %parallel_loop3A_228 = arith.constant 16 : i32
        %parallel_loop3A_229 = arith.muli %parallel_loop3A_182, %parallel_loop3A_228 : i32
        %parallel_loop3A_230 = arith.constant 4 : i32
        %parallel_loop3A_231 = arith.index_cast %parallel_loop3A_230 : i32 to index
        %parallel_loop3A_232 = arith.index_cast %parallel_loop3A_229 : i32 to index
        %parallel_loop3A_233 = tpu.vector_load %arg9[%parallel_loop3A_231, %parallel_loop3A_232] {strides = array<i32>} : memref<8x2048xf32, #tpu.memory_space<vmem>>, vector<16xf32>,
        tpu.vector_store %arg9[%parallel_loop3A_231, %parallel_loop3A_232], %parallel_loop3A_227 {strides = array<i32>} : memref<8x2048xf32, #tpu.memory_space<vmem>>, vector<16xf32>,
        %parallel_loop3A_234 = arith.constant 5 : i32
        %parallel_loop3A_235 = vector.broadcast %parallel_loop3A_234 : i32 to vector<16xi32>
        %parallel_loop3A_236 = tpu.vector_load_idx %arg7[%parallel_loop3A_235, %parallel_loop3A_188] : memref<8x4096xf32, #tpu.memory_space<vmem>>[vector<16xi32>, vector<16xi32>], vector<16xf32>,
        %parallel_loop3A_237 = arith.constant 16 : i32
        %parallel_loop3A_238 = arith.muli %parallel_loop3A_182, %parallel_loop3A_237 : i32
        %parallel_loop3A_239 = arith.constant 5 : i32
        %parallel_loop3A_240 = arith.index_cast %parallel_loop3A_239 : i32 to index
        %parallel_loop3A_241 = arith.index_cast %parallel_loop3A_238 : i32 to index
        %parallel_loop3A_242 = tpu.vector_load %arg9[%parallel_loop3A_240, %parallel_loop3A_241] {strides = array<i32>} : memref<8x2048xf32, #tpu.memory_space<vmem>>, vector<16xf32>,
        tpu.vector_store %arg9[%parallel_loop3A_240, %parallel_loop3A_241], %parallel_loop3A_236 {strides = array<i32>} : memref<8x2048xf32, #tpu.memory_space<vmem>>, vector<16xf32>,
        %parallel_loop3A_243 = arith.constant 6 : i32
        %parallel_loop3A_244 = vector.broadcast %parallel_loop3A_243 : i32 to vector<16xi32>
        %parallel_loop3A_245 = tpu.vector_load_idx %arg7[%parallel_loop3A_244, %parallel_loop3A_188] : memref<8x4096xf32, #tpu.memory_space<vmem>>[vector<16xi32>, vector<16xi32>], vector<16xf32>,
        %parallel_loop3A_246 = arith.constant 16 : i32
        %parallel_loop3A_247 = arith.muli %parallel_loop3A_182, %parallel_loop3A_246 : i32
        %parallel_loop3A_248 = arith.constant 6 : i32
        %parallel_loop3A_249 = arith.index_cast %parallel_loop3A_248 : i32 to index
        %parallel_loop3A_250 = arith.index_cast %parallel_loop3A_247 : i32 to index
        %parallel_loop3A_251 = tpu.vector_load %arg9[%parallel_loop3A_249, %parallel_loop3A_250] {strides = array<i32>} : memref<8x2048xf32, #tpu.memory_space<vmem>>, vector<16xf32>,
        tpu.vector_store %arg9[%parallel_loop3A_249, %parallel_loop3A_250], %parallel_loop3A_245 {strides = array<i32>} : memref<8x2048xf32, #tpu.memory_space<vmem>>, vector<16xf32>,
        %parallel_loop3A_252 = arith.constant 7 : i32
        %parallel_loop3A_253 = vector.broadcast %parallel_loop3A_252 : i32 to vector<16xi32>
        %parallel_loop3A_254 = tpu.vector_load_idx %arg7[%parallel_loop3A_253, %parallel_loop3A_188] : memref<8x4096xf32, #tpu.memory_space<vmem>>[vector<16xi32>, vector<16xi32>], vector<16xf32>,
        %parallel_loop3A_255 = arith.constant 16 : i32
        %parallel_loop3A_256 = arith.muli %parallel_loop3A_182, %parallel_loop3A_255 : i32
        %parallel_loop3A_257 = arith.constant 7 : i32
        %parallel_loop3A_258 = arith.index_cast %parallel_loop3A_257 : i32 to index
        %parallel_loop3A_259 = arith.index_cast %parallel_loop3A_256 : i32 to index
        %parallel_loop3A_260 = tpu.vector_load %arg9[%parallel_loop3A_258, %parallel_loop3A_259] {strides = array<i32>} : memref<8x2048xf32, #tpu.memory_space<vmem>>, vector<16xf32>,
        tpu.vector_store %arg9[%parallel_loop3A_258, %parallel_loop3A_259], %parallel_loop3A_254 {strides = array<i32>} : memref<8x2048xf32, #tpu.memory_space<vmem>>, vector<16xf32>,
      } {sc.loop_unroll_factor = 8 : i64, sc.parallel_access}
      %mul3A_175 = arith.constant 8 : i32
      %mul3A_176 = arith.muli %add3A_114, %mul3A_175 : i32
      %add3A_177 = arith.addi %mul3A_2, %mul3A_176 : i32
      %dma_start3A_178 = arith.constant 2048 : i32
      %dma_start3A_179 = tpu.memref_slice %arg4[%add3A_177, %dma_start3A_178] : memref<16384x4096xf32, #tpu.memory_space<hbm>> -> memref<8x2048xf32, #tpu.memory_space<hbm>>
      %dma_start3A_180 = arith.constant 2048 : i32
      %dma_start3A_181 = tpu.memref_slice %arg4[%add3A_177, %dma_start3A_180] : memref<16384x4096xf32, #tpu.memory_space<hbm>> -> memref<8x2048xf32, #tpu.memory_space<hbm>>
      tpu.enqueue_dma source(%arg9 : memref<8x2048xf32, #tpu.memory_space<vmem>>) target(%dma_start3A_181 : memref<8x2048xf32, #tpu.memory_space<hbm>>) target_semaphore(%arg15 : memref<!tpu.dma_semaphore, #tpu.memory_space<semaphore_mem>>)
    }
    %scan3A_34 = arith.constant 32 : i32
    %add3A_35 = arith.constant 504 : i32
    %add3A_36 = arith.addi %mul3A_2, %add3A_35 : i32
    %dma_wait3A = arith.constant 0 : i32
    %dma_wait3A_37 = tpu.memref_slice %arg4[%add3A_36, %dma_wait3A] : memref<16384x4096xf32, #tpu.memory_space<hbm>> -> memref<8x2048xf32, #tpu.memory_space<hbm>>
    %dma_wait3A_38 = arith.constant 0 : i32
    %dma_wait3A_39 = tpu.memref_slice %arg4[%add3A_36, %dma_wait3A_38] : memref<16384x4096xf32, #tpu.memory_space<hbm>> -> memref<8x2048xf32, #tpu.memory_space<hbm>>
    tpu.wait_dma2 semaphore(%arg14 : memref<!tpu.dma_semaphore, #tpu.memory_space<semaphore_mem>>) src(%arg8 : memref<8x2048xf32, #tpu.memory_space<vmem>>) dst(%dma_wait3A_39 : memref<8x2048xf32, #tpu.memory_space<hbm>>)
    %add3A_40 = arith.constant 504 : i32
    %add3A_41 = arith.addi %mul3A_2, %add3A_40 : i32
    %dma_wait3A_42 = arith.constant 2048 : i32
    %dma_wait3A_43 = tpu.memref_slice %arg4[%add3A_41, %dma_wait3A_42] : memref<16384x4096xf32, #tpu.memory_space<hbm>> -> memref<8x2048xf32, #tpu.memory_space<hbm>>
    %dma_wait3A_44 = arith.constant 2048 : i32
    %dma_wait3A_45 = tpu.memref_slice %arg4[%add3A_41, %dma_wait3A_44] : memref<16384x4096xf32, #tpu.memory_space<hbm>> -> memref<8x2048xf32, #tpu.memory_space<hbm>>
    tpu.wait_dma2 semaphore(%arg15 : memref<!tpu.dma_semaphore, #tpu.memory_space<semaphore_mem>>) src(%arg9 : memref<8x2048xf32, #tpu.memory_space<vmem>>) dst(%dma_wait3A_45 : memref<8x2048xf32, #tpu.memory_space<hbm>>)
    return
  }
}

</mosaic_0001>

<sc_bundles>
// kernel: kernel.3.cloned.1.call-start
scs
__scs_entry_jumppad:
0x0: {  	(pc) =	sbr.rel $0x88, $3  }
0x1: {  	(tag) =	ssettag $0x0;
	lr =	simm.s32 $0x1  }
0x2: {  	[smem:$0x3F9F] =	sst lr;
	_ =	strace $0xD0000000  }
0x3: {  	_ = 	snop  }
0x4: {  	_ = 	snop  }
0x5: {  	_ = 	snop  }
0x6: {  	_ = 	snop  }
0x7: {  	_ = 	snop  }
__scs_overlays_trampoline_lowered:
0x8: {  	[smem:$0x3FAE] =	sst s0  }
0x9: {  	[smem:$0x3FAF] =	sst s1  }
0xa: {  	[smem:$0x3FB0] =	sst s2  }
0xb: {  	[smem:$0x3FB1] =	sst s3  }
0xc: {  	[smem:$0x3FB2] =	sst s4  }
0xd: {  	[smem:$0x3FB3] =	sst s5  }
0xe: {  	[smem:$0x3FB4] =	sst s6  }
0xf: {  	[smem:$0x3FB5] =	sst s7  }
0x10: {  	[smem:$0x3FB6] =	sst s8  }
0x11: {  	[smem:$0x3FB7] =	sst s9;
	s0 =	simm.s32 @!p0 $0x0  }
0x12: {  	s1 =	sld [smem:$0x3F9D];
	s0 =	simm.s32 @p0 $0x1  }
0x13: {  	[smem:$0x3FB8] =	sst s0;
	s0 =	simm.s32 @!p1 $0x0  }
0x14: {  	s2 =	sld [smem:$0x3F9C];
	s0 =	simm.s32 @p1 $0x1  }
0x15: {  	[smem:$0x3FB9] =	sst s0;
	s0 =	simm.s32 @!p2 $0x0  }
0x16: {  	s3 =	sld [smem:$0x3FDB];
	s0 =	simm.s32 @p2 $0x1  }
0x17: {  	s4 =	simm.s32 $0x1BF5;
	[smem:$0x3FBB] =	sst s0  }
0x18: {  	s0 =	sld [smem:$0x3F9E];
	_ =	swait.ge [sflag:s4], $0x0  }
0x19: {  	s7 =	sld [smem:$0x3F9F]  }
0x1a: {  	s8 =	sadd.s32 $0xFFFFE003, lr  }
0x1b: {  	s9 =	sadd.s32 $0xFFFFFEF7, lr;
	s5 =	simm.s32 $0xFFFFFFFF;
	p2 =	slt.u32 s8, $0xFFFFF086  }
0x1c: {  	p1 =	slt.u32 s9, $0xF7A;
	s5 =	simm.s32 @!p2 $0x0  }
0x1d: {  	s5 =	simm.s32 @p1 $0x1;
	p0 =	seq.s32 s7, s2  }
0x1e: {  	s7 =	smul.u32 @!p0 $0xF7A, s2;
	p2 =	seq.s32 @!p0 s5, $0x0  }
0x1f: {  	s9 =	smul.u32 $0xF7A, s1;
	s8 =	simm.s32 @!p0 $0x1BF5;
	p2 =	por !p2, p0  }
0x20: {  	[sflag:s8] =	ssyncset.s32 @!p0 $0xFFFFF086;
	s6 =	sadd.s32 @!p0 s3, s7;
	s7 =	simm.s32 @!p0 $0x108  }
0x21: {  	s3 =	sadd.s32 s3, s9;
	s6 =	sadd.s32 @!p0 $0x88, s6;
	s7 =	simm.s32 @p2 $0x1082  }
0x22: {  	[simem:s7], [sflag:s8] =	dma.local @!p0 [hbm:s6], $0xF7A  }
0x23: {  	s9 =	sor.u32 $0xD0000000, s2;
	s6 =	simm.s32 $0x108;
	_ =	swait.ge @!p0 [sflag:s8], $0x0  }
0x24: {  	s3 =	sadd.s32 $0x88, s3;
	s6 =	simm.s32 @!p1 $0x1082;
	[sflag:s4] =	ssyncset.s32 $0xFFFFF086  }
0x25: {  	[simem:s6], [sflag:s4] =	dma.local [hbm:s3], $0xF7A  }
0x26: {  	[smem:$0x3F9F] =	sst s1;
	(tag) =	ssettag s2;
	_ =	strace s9  }
0x27: {  	s1 =	sld [smem:$0x3FAF]  }
0x28: {  	s2 =	sld [smem:$0x3FB0]  }
0x29: {  	s4 =	sld [smem:$0x3FB2]  }
0x2a: {  	p0 =	seq.s32 s5, $0x0;
	s5 =	sld [smem:$0x3FB3]  }
0x2b: {  	s6 =	sld [smem:$0x3FB4]  }
0x2c: {  	s7 =	sld [smem:$0x3FB5]  }
0x2d: {  	s3 =	simm.s32 $0x108;
	s8 =	sld [smem:$0x3FB6]  }
0x2e: {  	s3 =	simm.s32 @!p0 $0x1082;
	s9 =	sld [smem:$0x3FB7]  }
0x2f: {  	lr =	sadd.s32 s0, s3;
	s0 =	sld [smem:$0x3FAE]  }
0x30: {  	s3 =	sld [smem:$0x3FB1]  }
0x31: {  	[smem:$0x3FBA] =	sst s10  }
0x32: {  	s10 =	sld [smem:$0x3FB8];
	_ =	sdelay $0x3  }
0x33: {  	p0 =	seq.s32 s10, $0x1;
	s10 =	sld [smem:$0x3FBA];
	_ =	sdelay $0x3  }
0x34: {  	[smem:$0x3FBA] =	sst s10  }
0x35: {  	s10 =	sld [smem:$0x3FB9];
	_ =	sdelay $0x3  }
0x36: {  	p1 =	seq.s32 s10, $0x1;
	s10 =	sld [smem:$0x3FBA];
	_ =	sdelay $0x3  }
0x37: {  	[smem:$0x3FBA] =	sst s10  }
0x38: {  	s10 =	sld [smem:$0x3FBB]  }
0x39: {  	_ = 	snop;
	(pc) =	sbr.ind lr, $3  }
0x3a: {  	_ = 	snop  }
0x3b: {  	_ = 	snop  }
0x3c: {  	p2 =	seq.s32 s10, $0x1;
	s10 =	sld [smem:$0x3FBA]  }
0x3d: {  	_ =	shalt  }
0x3e: {  	_ =	shalt  }
0x3f: {  	_ =	shalt  }
0x40: {  	_ =	shalt  }
0x41: {  	_ =	shalt  }
0x42: {  	_ =	shalt  }
0x43: {  	_ =	shalt  }
0x44: {  	_ =	shalt  }
0x45: {  	_ =	shalt  }
0x46: {  	_ =	shalt  }
0x47: {  	_ =	shalt  }
0x48: {  	_ =	shalt  }
0x49: {  	_ =	shalt  }
0x4a: {  	_ =	shalt  }
0x4b: {  	_ =	shalt  }
0x4c: {  	_ =	shalt  }
0x4d: {  	_ =	shalt  }
0x4e: {  	_ =	shalt  }
0x4f: {  	_ =	shalt  }
0x50: {  	_ =	shalt  }
0x51: {  	_ =	shalt  }
0x52: {  	_ =	shalt  }
0x53: {  	_ =	shalt  }
0x54: {  	_ =	shalt  }
0x55: {  	_ =	shalt  }
0x56: {  	_ =	shalt  }
0x57: {  	_ =	shalt  }
0x58: {  	_ =	shalt  }
0x59: {  	_ =	shalt  }
0x5a: {  	_ =	shalt  }
0x5b: {  	_ =	shalt  }
0x5c: {  	_ =	shalt  }
0x5d: {  	_ =	shalt  }
0x5e: {  	_ =	shalt  }
0x5f: {  	_ =	shalt  }
0x60: {  	_ =	shalt  }
0x61: {  	_ =	shalt  }
0x62: {  	_ =	shalt  }
0x63: {  	_ =	shalt  }
0x64: {  	_ =	shalt  }
0x65: {  	_ =	shalt  }
0x66: {  	_ =	shalt  }
0x67: {  	_ =	shalt  }
0x68: {  	_ =	shalt  }
0x69: {  	_ =	shalt  }
0x6a: {  	_ =	shalt  }
0x6b: {  	_ =	shalt  }
0x6c: {  	_ =	shalt  }
0x6d: {  	_ =	shalt  }
0x6e: {  	_ =	shalt  }
0x6f: {  	_ =	shalt  }
0x70: {  	_ =	shalt  }
0x71: {  	_ =	shalt  }
0x72: {  	_ =	shalt  }
0x73: {  	_ =	shalt  }
0x74: {  	_ =	shalt  }
0x75: {  	_ =	shalt  }
0x76: {  	_ =	shalt  }
0x77: {  	_ =	shalt  }
0x78: {  	_ =	shalt  }
0x79: {  	_ =	shalt  }
0x7a: {  	_ =	shalt  }
0x7b: {  	_ =	shalt  }
0x7c: {  	_ =	shalt  }
0x7d: {  	_ =	shalt  }
0x7e: {  	_ =	shalt  }
0x7f: {  	_ =	shalt  }
0x80: {  	_ =	shalt  }
0x81: {  	_ =	shalt  }
0x82: {  	_ =	shalt  }
0x83: {  	_ =	shalt  }
0x84: {  	_ =	shalt  }
0x85: {  	_ =	shalt  }
0x86: {  	_ =	shalt  }
0x87: {  	_ =	shalt  }
.Lfunc_end0:
.L_simem_size_0:
called_computation_lowered:
.L_overlay_start_0:
0x88: {  	s2 =	sld [smem:$0x3FD9]  }
0x89: {  	s3 =	sld [smem:$0x3FFE];
	_ =	sdelay $0x1  }
0x8a: {  	s1 =	srdreg.scid  }
0x8b: {  	s0 =	sand.u32 $0x1, s1  }
0x8c: {  	s18 =	sshll.u32 s0, $0xA;
	s2 =	sadd.s32 s3, s2  }
0x8d: {  	s2 =	sadd.s32 s2, s18  }
0x8e: {  	[smem:$0x3FC6] =	sst s2  }
0x8f: {  	_ = 	snop  }
0x90: {  	s2 =	sld [smem:$0x3FC9]  }
0x91: {  	s19 =	sld [smem:$0x3FC8]  }
0x92: {  	s4 =	sld [smem:$0x3FD0];
	(tm) =	ssettm $0x1  }
0x93: {  	s5 =	sld [smem:$0x3FFB];
	_ =	sdelay $0x3  }
0x94: {  	_ =	strace s5  }
0x95: {  	s5 =	sld [smem:$0x3FFC];
	_ =	sdelay $0x3  }
0x96: {  	_ =	strace s5  }
0x97: {  	s5 =	sld [smem:$0x3FFD];
	_ =	sdelay $0x3  }
0x98: {  	_ =	strace s5  }
0x99: {  	_ =	strace $0x8FFFFFFF  }
0x9a: {  	s20 =	sld [smem:$0x3FDB];
	_ =	sdelay $0x1  }
0x9b: {  	s6 =	simm.s32 $_scs_section_size  }
0x9c: {  	s7 =	simm.s32 $_size__tile_overlayer_lowered;
	s8 =	simm.s32 $_tile_overlayer_lowered  }
0x9d: {  	s23 =	simm.s32 $0x1BFF;
	s22 =	sshll.u32 s8, $0x1;
	s5 =	sadd.s32 s6, s20  }
0x9e: {  	s9 =	simm.s32 $0x0;
	s21 =	sshll.u32 s7, $0x1;
	s7 =	sadd.s32 s22, s5  }
0x9f: {  	[timem:s9], [sflag:s23] =	dma.local [hbm:s7], s21  }
0xa0: {  	_ =	swait.ge [sflag:s23], s21  }
0xa1: {  	s6 =	ssub.s32 $0x0, s21;
	[sflag:s23] =	ssyncset.done $0x0  }
0xa2: {  	[sflag:s23] =	ssyncadd.s32 s6;
	_ =	sdelay $0x1  }
0xa3: {  	s24 =	simm.s32 $0x1B8B  }
0xa4: {  	_ =	swait.ge [sflag:s24], $0x1  }
0xa5: {  	[sflag:s24] =	ssyncset.done $0x0  }
0xa6: {  	s25 =	simm.s32 $0x1B8E;
	[sflag:s24] =	ssyncadd.s32 $0xFFFFFFFF  }
0xa7: {  	s26 =	simm.s32 $execute0_lowered;
	[smem:$0x3FD2] =	sst s25  }
0xa8: {  	s6 =	sshll.u32 s26, $0x1;
	_ =	strace $0x80000046;
	[dreg:$0x1] =	wrdreg $0xFFFFFFFF  }
0xa9: {  	s28 =	simm.s32 $_size_execute0_lowered;
	s5 =	sadd.s32 s5, s6;
	[dreg:$0x0] =	wrdreg $0x0  }
0xaa: {  	s6 =	sshll.u32 s28, $0x1;
	[dreg:$0x2] =	wrdreg s5  }
0xab: {  	[dreg:$0x3] =	wrdreg s6  }
0xac: {  	[dreg:$0x4] =	wrdreg $0xC0  }
0xad: {  	_ =	task [dreg:s9], $0x5FFFF  }
0xae: {  	[dreg:$0x1] =	wrdreg $0xFFFFFFFF  }
0xaf: {  	[dreg:$0x0] =	wrdreg $0x60  }
0xb0: {  	[dreg:$0x2] =	wrdreg s2  }
0xb1: {  	[dreg:$0x3] =	wrdreg s19  }
0xb2: {  	[dreg:$0x4] =	wrdreg s4  }
0xb3: {  	[dreg:$0x5] =	wrdreg $0x9  }
0xb4: {  	_ =	task.clear_ibuf [dreg:s9], $0x6FFFF;
	_ =	strace $0x90000046  }
0xb5: {  	s29 =	simm.s32 $0x9;
	_ =	strace $0x80000048  }
0xb6: {  	_ =	swait.ge [sflag:s29], $0x1  }
0xb7: {  	[sflag:s29] =	ssyncadd.s32 $0xFFFFFFFF  }
0xb8: {  	_ =	strace $0x90000048  }
0xb9: {  	_ =	sfence  }
0xba: {  	s30 =	sld [smem:$0x0];
	_ =	sdelay $0x2  }
0xbb: {  	s31 =	sshll.u32 s1, $0xD;
	s1 =	sshrl.u32 s1, $0x2  }
0xbc: {  	s3 =	sand.u32 $0x4000, s31;
	s1 =	sadd.s32 s1, s30  }
0xbd: {  	s0 =	sor.u32 s3, s0;
	s1 =	sshll.u32 s1, $0x11  }
0xbe: {  	s0 =	sor.u32 s1, s0  }
0xbf: {  	s0 =	sadd.s32 $0x8F2B, s0  }
0xc0: {  	[sflag:s0] =	ssyncadd.remote.s32 $0x1  }
0xc1: {  	_ =	sfence.sel $0xFFFF  }
0xc2: {  	[dreg:$0x0] =	wrdreg $0xFFFFFFFF;
	(pc) =	sbr.abs _section_cstart, $3  }
0xc3: {  	[dreg:$0x1] =	wrdreg $0xFFFFFFFF  }
0xc4: {  	_ =	task.clear_ibuf [dreg:s9], $0x2FFFF;
	_ =	strace $0x9FFFFFFF  }
0xc5: {  	(tm) =	ssettm $0x7FFFFFFF  }
tec
execute0_lowered:
.L_overlay_start_1:
0x0: {  	(tag) =	ssettag $0x1  }
0x1: {  	s1 =	rddreg [dreg:$0x0]  }
0x2: {  	s3 =	rddreg [dreg:$0x2];
	s5 =	simm.s32 $0x0;
	s0 =	srdreg.scid  }
0x3: {  	s4 =	stileid.u32;
	s14 =	simm.s32 $0x7;
	s15 =	simm.s32 $0x1  }
0x4: {  	s16 =	simm.s32 $0x2;
	s17 =	simm.s32 $0x1000;
	s18 =	simm.s32 $0x11000  }
0x5: {  	s19 =	simm.s32 $0x15000;
	s20 =	simm.s32 $0x3;
	s21 =	simm.s32 $0x4  }
0x6: {  	s22 =	simm.s32 $0x5;
	s23 =	simm.s32 $0x9000;
	s24 =	simm.s32 $0x6  }
0x7: {  	s25 =	simm.s32 $0x0;
	[smem:$0x7FF] =	sst s5;
	s0 =	sand.u32 $0x1, s0  }
0x8: {  	s4 =	sshll.u32 s4, $0xA;
	s2 =	ssub.s32 $0x2, s0;
	s0 =	sshll.u32 s0, $0x9  }
0x9: {  	s7 =	sadd.s32 $0x40, s1;
	s6 =	sshrl.u32 s2, $0x1;
	s0 =	sor.u32 s0, s4  }
0xa: {  	s10 =	sadd.s32 $0x800, s3;
	s2 =	ssub.s32 s2, s6;
	s6 =	sshll.u32 s0, $0x9  }
0xb: {  	_ =	strace $0x80000047;
	s11 =	sshrl.u32 s0, $0x3;
	s8 =	sadd.s32 s1, s6  }
0xc: {  	s9 =	sadd.s32 s6, s7;
	s12 =	smax.u32 s2, $0x1;
	s13 =	sor.u32 $0x2000, s6  }
.LBB2_1:
0xd: {  	s0 =	rddreg [dreg:$0x1]  }
0xe: {  	[tilespmem:s5], [sflag:$0x7] =	stream.linear.gather [hbm4b:s0+s5], $0x1000, $0x38;
	[tilespmem:$0x19000] =	vst v63  }
0xf: {  	_ =	swait.ge [sflag:s14], $0x1000  }
0x10: {  	s26 =	sadd.s32 $0x0, s8;
	s2 =	simm.s32 $0x1400;
	[sflag:s14] =	ssyncset.done $0x0  }
0x11: {  	s4 =	simm.s32 $0x1000;
	s0 =	simm.s32 $0x80;
	[sflag:s14] =	ssyncadd.s32 $0xFFFFF000  }
.LBB2_2:
0x12: {  	[tilespmem:s4], [sflag:$0x1] =	stream.linear.gather [hbm4b:s26+s5], $0x200, $0x38;
	[tilespmem:$0x19000] =	vst v63  }
0x13: {  	s26 =	smov.u32 s0;
	s4 =	smov.u32 s2;
	p0 =	sne.s32 s0, $0xF80  }
.Ltmp0:
0x14: {  	s0 =	sadd.s32 $0x80, s0;
	(pc) =	sbr.rel @p0 .LBB2_2-.Ltmp0, $2  }
0x15: {  	_ =	sdelay $0x2  }
0x16: {  	s2 =	sadd.s32 $0x400, s2;
	s26 =	sadd.s32 s26, s8  }
0x17: {  	[tilespmem:s4], [sflag:$0x1] =	stream.linear.gather [hbm4b:s26+s5], $0x200, $0x38;
	[tilespmem:$0x19000] =	vst v63  }
0x18: {  	s26 =	simm.s32 $0x0;
	s0 =	simm.s32 $0x1200  }
0x19: {  	s2 =	simm.s32 $0x80;
	s28 =	sadd.s32 $0x0, s9;
	s4 =	simm.s32 $0x1600  }
.LBB2_4:
0x1a: {  	[tilespmem:s0], [sflag:$0x2] =	stream.linear.gather [hbm4b:s28+s26], $0x200, $0x38;
	[tilespmem:$0x19000] =	vst v63  }
0x1b: {  	s28 =	smov.u32 s2;
	s0 =	smov.u32 s4;
	p0 =	sne.s32 s2, $0xF80  }
.Ltmp1:
0x1c: {  	s2 =	sadd.s32 $0x80, s2;
	(pc) =	sbr.rel @p0 .LBB2_4-.Ltmp1, $2  }
0x1d: {  	_ =	sdelay $0x2  }
0x1e: {  	s4 =	sadd.s32 $0x400, s4;
	s28 =	sadd.s32 s28, s9  }
0x1f: {  	[tilespmem:s0], [sflag:$0x2] =	stream.linear.gather [hbm4b:s28+s26], $0x200, $0x38;
	[tilespmem:$0x19000] =	vst v63  }
.LBB2_6:
0x20: {  	_ =	swait.ge [sflag:s15], $0x4000  }
0x21: {  	s28 =	sshllo.u32 s26, $0x1;
	[sflag:s15] =	ssyncset.done $0x0  }
0x22: {  	s0 =	sshll.u32 s28, $0xC;
	[sflag:s15] =	ssyncadd.s32 $0xFFFFC000  }
0x23: {  	s4 =	simm.s32 $0x9000;
	s0 =	sadd.s32 s6, s0;
	_ =	swait.ge [sflag:s16], $0x4000  }
0x24: {  	s29 =	simm.s32 $0x80;
	s2 =	sadd.s32 s1, s0;
	[sflag:s16] =	ssyncset.done $0x0  }
0x25: {  	s30 =	simm.s32 $0x9400;
	s31 =	sadd.s32 $0x0, s2;
	[sflag:s16] =	ssyncadd.s32 $0xFFFFC000  }
.LBB2_7:
0x26: {  	[tilespmem:s4], [sflag:$0x3] =	stream.linear.gather [hbm4b:s31+s5], $0x200, $0x38;
	[tilespmem:$0x19000] =	vst v63  }
0x27: {  	s31 =	smov.u32 s29;
	s4 =	smov.u32 s30;
	p0 =	sne.s32 s29, $0xF80  }
.Ltmp2:
0x28: {  	s29 =	sadd.s32 $0x80, s29;
	(pc) =	sbr.rel @p0 .LBB2_7-.Ltmp2, $2  }
0x29: {  	_ =	sdelay $0x2  }
0x2a: {  	s30 =	sadd.s32 $0x400, s30;
	s31 =	sadd.s32 s31, s2  }
0x2b: {  	[tilespmem:s4], [sflag:$0x3] =	stream.linear.gather [hbm4b:s31+s5], $0x200, $0x38;
	[tilespmem:$0x19000] =	vst v63  }
0x2c: {  	s0 =	sadd.s32 s0, s7;
	s2 =	simm.s32 $0x9200  }
0x2d: {  	s4 =	simm.s32 $0x80;
	s29 =	simm.s32 $0x9600;
	s30 =	sadd.s32 $0x0, s0  }
.LBB2_9:
0x2e: {  	[tilespmem:s2], [sflag:$0x4] =	stream.linear.gather [hbm4b:s30+s5], $0x200, $0x38;
	[tilespmem:$0x19000] =	vst v63  }
0x2f: {  	s30 =	smov.u32 s4;
	s2 =	smov.u32 s29;
	p0 =	sne.s32 s4, $0xF80  }
.Ltmp3:
0x30: {  	s4 =	sadd.s32 $0x80, s4;
	(pc) =	sbr.rel @p0 .LBB2_9-.Ltmp3, $2  }
0x31: {  	_ =	sdelay $0x2  }
0x32: {  	s29 =	sadd.s32 $0x400, s29;
	s30 =	sadd.s32 s30, s0  }
0x33: {  	[tilespmem:s2], [sflag:$0x4] =	stream.linear.gather [hbm4b:s30+s5], $0x200, $0x38;
	[tilespmem:$0x19000] =	vst v63  }
0x34: {  	p0 =	seq.s32 s26, $0x0  }
0x35: {  	s0 =	simm.s32 @!p0 $0x5  }
0x36: {  	_ =	swait.ge @!p0 [sflag:s0], $0x4000  }
0x37: {  	[sflag:s0] =	ssyncset.done @!p0 $0x0  }
0x38: {  	s30 =	simm.s32 $0x40;
	[sflag:s0] =	ssyncadd.s32 @!p0 $0xFFFFC000  }
0x39: {  	v0 =	vld [tilespmem:s30+$0x30];
	_ =	sdelay $0x3  }
0x3a: {  	v1 =	vld [tilespmem:s30+$0xFFFFFFD0]  }
0x3b: {  	v2 =	vshll.u32 v0, $0x3  }
0x3c: {  	v3 =	vld [tilespmem:s30+$0xFFFFFFE0];
	v0 =	vand.u32 $0x7F, v0;
	v2 =	vand.u32 $0xFFFFFC00, v2  }
0x3d: {  	v5 =	vld [tilespmem:s30+$0xFFFFFFC0];
	v4 =	vor.u32 v0, v2;
	_ =	sdelay $0x1  }
0x3e: {  	v2 =	vld [tilespmem:s30+$0xFFFFFFF0];
	v0 =	vshll.u32 v1, $0x3  }
0x3f: {  	v7 =	vld [tilespmem:s30+$0x10];
	v1 =	vand.u32 $0x7F, v1;
	v8 =	vand.u32 $0xFFFFFC00, v0  }
0x40: {  	v6 =	vld [tilespmem:s30+$0x0];
	v0 =	vshll.u32 v3, $0x3;
	v1 =	vor.u32 v1, v8  }
0x41: {  	v11 =	vor.u32 $0x80, v4;
	v9 =	vand.u32 $0xFFFFFC00, v0;
	v0 =	vshll.u32 v5, $0x3;
	v10 =	vld.idx.msk [tilespmem:v4+s17+$0x0], $0xffff  }
0x42: {  	v12 =	vld [tilespmem:s30+$0x20];
	v3 =	vand.u32 $0x7F, v3;
	v5 =	vand.u32 $0x7F, v5;
	v0 =	vand.u32 $0xFFFFFC00, v0  }
0x43: {  	v0 =	vor.u32 v5, v0;
	v13 =	vshll.u32 v2, $0x3;
	v8 =	vand.u32 $0x7F, v2  }
0x44: {  	v2 =	vor.u32 v3, v9;
	v9 =	vshll.u32 v7, $0x3;
	v5 =	vand.u32 $0xFFFFFC00, v13  }
0x45: {  	s29 =	simm.s32 $0x11200;
	v13 =	vshll.u32 v6, $0x3;
	v3 =	vor.u32 v8, v5;
	v5 =	vand.u32 $0xFFFFFC00, v9;
	v9 =	vld.idx.msk [tilespmem:v1+s17+$0x0], $0xffff  }
0x46: {  	v15 =	vor.u32 $0x80, v1;
	v6 =	vand.u32 $0x7F, v6;
	v13 =	vand.u32 $0xFFFFFC00, v13;
	[tilespmem:s29+$0xFFFFFE70] =	vst v10  }
0x47: {  	v7 =	vand.u32 $0x7F, v7;
	v8 =	vshll.u32 v12, $0x3;
	v10 =	vor.u32 v6, v13;
	v6 =	vld.idx.msk [tilespmem:v11+s17+$0x0], $0xffff  }
0x48: {  	v11 =	vor.u32 v7, v5;
	v5 =	vld.idx.msk [tilespmem:v0+s17+$0x0], $0xffff;
	v7 =	vand.u32 $0xFFFFFC00, v8;
	v8 =	vand.u32 $0x7F, v12  }
0x49: {  	v13 =	vor.u32 $0x100, v4;
	v12 =	vor.u32 v8, v7;
	v7 =	vld.idx.msk [tilespmem:v2+s17+$0x0], $0xffff  }
0x4a: {  	v8 =	vor.u32 $0x80, v0;
	v14 =	vld.idx.msk [tilespmem:v3+s17+$0x0], $0xffff;
	[tilespmem:s29+$0xFFFFFE10] =	vst v9  }
0x4b: {  	v15 =	vld.idx.msk [tilespmem:v15+s17+$0x0], $0xffff  }
0x4c: {  	v17 =	vor.u32 $0x80, v2;
	v16 =	vld.idx.msk [tilespmem:v10+s17+$0x0], $0xffff  }
0x4d: {  	v18 =	vld.idx.msk [tilespmem:v11+s17+$0x0], $0xffff;
	[tilespmem:s29+$0xFFFFFEF0] =	vst v6;
	v6 =	vor.u32 $0x80, v3  }
0x4e: {  	[tilespmem:s29+$0xFFFFFE00] =	vst v5;
	v5 =	vld.idx.msk [tilespmem:v13+s17+$0x0], $0xffff;
	v13 =	vor.u32 $0x80, v10  }
0x4f: {  	v19 =	vor.u32 $0x80, v11;
	v8 =	vld.idx.msk [tilespmem:v8+s17+$0x0], $0xffff;
	[tilespmem:s29+$0xFFFFFE20] =	vst v7  }
0x50: {  	v9 =	vld.idx.msk [tilespmem:v12+s17+$0x0], $0xffff;
	v7 =	vor.u32 $0x180, v4;
	[tilespmem:s29+$0xFFFFFE30] =	vst v14  }
0x51: {  	v14 =	vor.u32 $0x80, v12;
	v17 =	vld.idx.msk [tilespmem:v17+s17+$0x0], $0xffff;
	[tilespmem:s29+$0xFFFFFE40] =	vst v16  }
0x52: {  	v16 =	vor.u32 $0x100, v0;
	v6 =	vld.idx.msk [tilespmem:v6+s17+$0x0], $0xffff;
	[tilespmem:s29+$0xFFFFFE50] =	vst v18  }
0x53: {  	v18 =	vor.u32 $0x100, v1;
	v13 =	vld.idx.msk [tilespmem:v13+s17+$0x0], $0xffff;
	[tilespmem:s29+$0xFFFFFF70] =	vst v5  }
0x54: {  	v5 =	vor.u32 $0x100, v2;
	[tilespmem:s29+$0xFFFFFE80] =	vst v8;
	v8 =	vld.idx.msk [tilespmem:v19+s17+$0x0], $0xffff  }
0x55: {  	[tilespmem:s29+$0xFFFFFE60] =	vst v9;
	v9 =	vor.u32 $0x100, v3;
	v7 =	vld.idx.msk [tilespmem:v7+s17+$0x0], $0xffff  }
0x56: {  	[tilespmem:s29+$0xFFFFFE90] =	vst v15;
	v19 =	vor.u32 $0x100, v10;
	v14 =	vld.idx.msk [tilespmem:v14+s17+$0x0], $0xffff  }
0x57: {  	[tilespmem:s29+$0xFFFFFEA0] =	vst v17;
	v17 =	vor.u32 $0x100, v11;
	v16 =	vld.idx.msk [tilespmem:v16+s17+$0x0], $0xffff  }
0x58: {  	v15 =	vor.u32 $0x200, v4;
	v18 =	vld.idx.msk [tilespmem:v18+s17+$0x0], $0xffff;
	[tilespmem:s29+$0xFFFFFEB0] =	vst v6  }
0x59: {  	v6 =	vor.u32 $0x100, v12;
	v5 =	vld.idx.msk [tilespmem:v5+s17+$0x0], $0xffff;
	[tilespmem:s29+$0xFFFFFEC0] =	vst v13  }
0x5a: {  	v13 =	vor.u32 $0x180, v0;
	v9 =	vld.idx.msk [tilespmem:v9+s17+$0x0], $0xffff;
	[tilespmem:s29+$0xFFFFFED0] =	vst v8  }
0x5b: {  	[tilespmem:s29+$0xFFFFFFF0] =	vst v7;
	v7 =	vor.u32 $0x180, v1;
	v19 =	vld.idx.msk [tilespmem:v19+s17+$0x0], $0xffff  }
0x5c: {  	[tilespmem:s29+$0xFFFFFEE0] =	vst v14;
	v14 =	vld.idx.msk [tilespmem:v17+s17+$0x0], $0xffff;
	v17 =	vor.u32 $0x180, v3  }
0x5d: {  	v8 =	vld.idx.msk [tilespmem:v15+s17+$0x0], $0xffff;
	v15 =	vor.u32 $0x180, v2;
	[tilespmem:s29+$0xFFFFFF00] =	vst v16  }
0x5e: {  	v16 =	vor.u32 $0x280, v4;
	[tilespmem:s29+$0xFFFFFF10] =	vst v18;
	v6 =	vld.idx.msk [tilespmem:v6+s17+$0x0], $0xffff  }
0x5f: {  	v18 =	vor.u32 $0x180, v10;
	v13 =	vld.idx.msk [tilespmem:v13+s17+$0x0], $0xffff;
	[tilespmem:s29+$0xFFFFFF20] =	vst v5  }
0x60: {  	v5 =	vor.u32 $0x180, v11;
	[tilespmem:s29+$0xFFFFFF30] =	vst v9;
	v7 =	vld.idx.msk [tilespmem:v7+s17+$0x0], $0xffff  }
0x61: {  	v9 =	vor.u32 $0x180, v12;
	[tilespmem:s29+$0xFFFFFF40] =	vst v19;
	v17 =	vld.idx.msk [tilespmem:v17+s17+$0x0], $0xffff  }
0x62: {  	v15 =	vld.idx.msk [tilespmem:v15+s17+$0x0], $0xffff;
	[tilespmem:s29+$0x70] =	vst v8;
	v8 =	vor.u32 $0x200, v0  }
0x63: {  	v19 =	vor.u32 $0x200, v1;
	[tilespmem:s29+$0xFFFFFF50] =	vst v14;
	v16 =	vld.idx.msk [tilespmem:v16+s17+$0x0], $0xffff  }
0x64: {  	v14 =	vld.idx.msk [tilespmem:v18+s17+$0x0], $0xffff;
	[tilespmem:s29+$0xFFFFFF60] =	vst v6;
	v6 =	vor.u32 $0x300, v4  }
0x65: {  	v18 =	vor.u32 $0x200, v2;
	[tilespmem:s29+$0xFFFFFF80] =	vst v13;
	v5 =	vld.idx.msk [tilespmem:v5+s17+$0x0], $0xffff  }
0x66: {  	v13 =	vor.u32 $0x200, v3;
	[tilespmem:s29+$0xFFFFFF90] =	vst v7;
	v7 =	vld.idx.msk [tilespmem:v9+s17+$0x0], $0xffff  }
0x67: {  	v9 =	vor.u32 $0x200, v10;
	v8 =	vld.idx.msk [tilespmem:v8+s17+$0x0], $0xffff;
	[tilespmem:s29+$0xFFFFFFA0] =	vst v15  }
0x68: {  	v15 =	vor.u32 $0x200, v11;
	v19 =	vld.idx.msk [tilespmem:v19+s17+$0x0], $0xffff;
	[tilespmem:s29+$0xF0] =	vst v16  }
0x69: {  	[tilespmem:s29+$0xFFFFFFB0] =	vst v17;
	v16 =	vor.u32 $0x200, v12;
	v6 =	vld.idx.msk [tilespmem:v6+s17+$0x0], $0xffff  }
0x6a: {  	v17 =	vor.u32 $0x280, v0;
	v18 =	vld.idx.msk [tilespmem:v18+s17+$0x0], $0xffff;
	[tilespmem:s29+$0xFFFFFFC0] =	vst v14  }
0x6b: {  	v4 =	vor.u32 $0x380, v4;
	v13 =	vld.idx.msk [tilespmem:v13+s17+$0x0], $0xffff;
	[tilespmem:s29+$0xFFFFFFD0] =	vst v5  }
0x6c: {  	v5 =	vor.u32 $0x280, v1;
	v9 =	vld.idx.msk [tilespmem:v9+s17+$0x0], $0xffff;
	[tilespmem:s29+$0xFFFFFFE0] =	vst v7  }
0x6d: {  	v7 =	vor.u32 $0x280, v2;
	[tilespmem:s29+$0x0] =	vst v8;
	v8 =	vld.idx.msk [tilespmem:v15+s17+$0x0], $0xffff  }
0x6e: {  	v14 =	vor.u32 $0x280, v3;
	[tilespmem:s29+$0x10] =	vst v19;
	v15 =	vld.idx.msk [tilespmem:v16+s17+$0x0], $0xffff  }
0x6f: {  	v16 =	vor.u32 $0x280, v10;
	v17 =	vld.idx.msk [tilespmem:v17+s17+$0x0], $0xffff;
	[tilespmem:s29+$0x170] =	vst v6  }
0x70: {  	v6 =	vor.u32 $0x280, v11;
	[tilespmem:s29+$0x20] =	vst v18;
	v4 =	vld.idx.msk [tilespmem:v4+s17+$0x0], $0xffff  }
0x71: {  	v18 =	vor.u32 $0x280, v12;
	v5 =	vld.idx.msk [tilespmem:v5+s17+$0x0], $0xffff;
	[tilespmem:s29+$0x30] =	vst v13  }
0x72: {  	v13 =	vor.u32 $0x300, v0;
	v7 =	vld.idx.msk [tilespmem:v7+s17+$0x0], $0xffff;
	[tilespmem:s29+$0x40] =	vst v9  }
0x73: {  	v9 =	vor.u32 $0x300, v1;
	v19 =	vld.idx.msk [tilespmem:v14+s17+$0x0], $0xffff;
	[tilespmem:s29+$0x50] =	vst v8  }
0x74: {  	v20 =	vor.u32 $0x300, v2;
	v21 =	vld.idx.msk [tilespmem:v16+s17+$0x0], $0xffff;
	[tilespmem:s29+$0x60] =	vst v15  }
0x75: {  	v22 =	vor.u32 $0x300, v3;
	[tilespmem:s29+$0x80] =	vst v17;
	v17 =	vld.idx.msk [tilespmem:v6+s17+$0x0], $0xffff  }
0x76: {  	v23 =	vor.u32 $0x300, v10;
	v15 =	vld.idx.msk [tilespmem:v18+s17+$0x0], $0xffff;
	[tilespmem:s29+$0x1F0] =	vst v4  }
0x77: {  	v14 =	vld.idx.msk [tilespmem:v13+s17+$0x0], $0xffff;
	[tilespmem:s29+$0x90] =	vst v5  }
0x78: {  	v13 =	vld.idx.msk [tilespmem:v9+s17+$0x0], $0xffff;
	[tilespmem:s29+$0xA0] =	vst v7  }
0x79: {  	v8 =	vor.u32 $0x300, v11;
	v6 =	vor.u32 $0x380, v1;
	v1 =	vor.u32 $0x380, v11;
	[tilespmem:s29+$0xB0] =	vst v19;
	v16 =	vld.idx.msk [tilespmem:v20+s17+$0x0], $0xffff  }
0x7a: {  	v5 =	vor.u32 $0x380, v2;
	v4 =	vor.u32 $0x380, v3;
	v2 =	vor.u32 $0x380, v10;
	v3 =	vld.idx.msk [tilespmem:v22+s17+$0x0], $0xffff;
	[tilespmem:s29+$0xC0] =	vst v21  }
0x7b: {  	s4 =	simm.s32 $0xC0;
	s31 =	simm.s32 $0x11200;
	s0 =	simm.s32 $0x0;
	v7 =	vor.u32 $0x380, v0;
	v9 =	vor.u32 $0x300, v12;
	v0 =	vor.u32 $0x380, v12;
	v10 =	vld.idx.msk [tilespmem:v23+s17+$0x0], $0xffff;
	[tilespmem:s29+$0xD0] =	vst v17  }
.LBB2_11:
0x7c: {  	v11 =	vld [tilespmem:s4+$0x30];
	s0 =	sadd.s32 $0x8, s0;
	[tilespmem:s29+$0xE0] =	vst v15  }
0x7d: {  	v12 =	vld [tilespmem:s4+$0xFFFFFFD0];
	p1 =	slt.u32 s0, $0x78;
	[tilespmem:s29+$0x100] =	vst v14  }
0x7e: {  	v14 =	vld [tilespmem:s4+$0xFFFFFFE0];
	[tilespmem:s29+$0x110] =	vst v13  }
0x7f: {  	v13 =	vld [tilespmem:s4+$0xFFFFFFF0];
	[tilespmem:s29+$0x120] =	vst v16  }
0x80: {  	v15 =	vld [tilespmem:s4+$0x0];
	[tilespmem:s29+$0x130] =	vst v3  }
0x81: {  	v16 =	vld [tilespmem:s4+$0x10];
	v3 =	vshll.u32 v11, $0x3;
	[tilespmem:s29+$0x140] =	vst v10  }
0x82: {  	v11 =	vand.u32 $0x7F, v11;
	v10 =	vshll.u32 v12, $0x3;
	v17 =	vld [tilespmem:s4+$0x20];
	v3 =	vand.u32 $0xFFFFFC00, v3  }
0x83: {  	v18 =	vld [tilespmem:s4+$0xFFFFFFC0];
	v10 =	vand.u32 $0xFFFFFC00, v10;
	v19 =	vshll.u32 v14, $0x3;
	v3 =	vor.u32 v11, v3  }
0x84: {  	v11 =	vand.u32 $0x7F, v12;
	v12 =	vand.u32 $0xFFFFFC00, v19;
	v19 =	vshll.u32 v13, $0x3;
	v8 =	vld.idx.msk [tilespmem:v8+s17+$0x0], $0xffff  }
0x85: {  	v14 =	vand.u32 $0x7F, v14;
	v19 =	vand.u32 $0xFFFFFC00, v19;
	v20 =	vshll.u32 v15, $0x3;
	v9 =	vld.idx.msk [tilespmem:v9+s17+$0x0], $0xffff  }
0x86: {  	v13 =	vand.u32 $0x7F, v13;
	v20 =	vand.u32 $0xFFFFFC00, v20;
	v21 =	vshll.u32 v16, $0x3;
	v7 =	vld.idx.msk [tilespmem:v7+s17+$0x0], $0xffff  }
0x87: {  	v15 =	vand.u32 $0x7F, v15;
	v21 =	vand.u32 $0xFFFFFC00, v21;
	v22 =	vshll.u32 v17, $0x3;
	v6 =	vld.idx.msk [tilespmem:v6+s17+$0x0], $0xffff  }
0x88: {  	v23 =	vand.u32 $0x7F, v18;
	v18 =	vshll.u32 v18, $0x3;
	v22 =	vand.u32 $0xFFFFFC00, v22;
	v24 =	vld.idx.msk [tilespmem:v3+s17+$0x0], $0xffff  }
0x89: {  	v16 =	vand.u32 $0x7F, v16;
	v17 =	vand.u32 $0x7F, v17;
	v18 =	vand.u32 $0xFFFFFC00, v18;
	v5 =	vld.idx.msk [tilespmem:v5+s17+$0x0], $0xffff  }
0x8a: {  	v25 =	vor.u32 v11, v10;
	v10 =	vor.u32 $0x80, v3;
	v23 =	vor.u32 v23, v18;
	v4 =	vld.idx.msk [tilespmem:v4+s17+$0x0], $0xffff;
	[tilespmem:s29+$0x150] =	vst v8  }
0x8b: {  	v26 =	vor.u32 v14, v12;
	v27 =	vor.u32 v13, v19;
	v28 =	vor.u32 v15, v20;
	[tilespmem:s29+$0x160] =	vst v9  }
0x8c: {  	v21 =	vor.u32 v16, v21;
	v22 =	vor.u32 v17, v22;
	v8 =	vor.u32 $0x80, v23;
	[tilespmem:s29+$0x180] =	vst v7;
	v2 =	vld.idx.msk [tilespmem:v2+s17+$0x0], $0xffff  }
0x8d: {  	v29 =	vor.u32 $0x80, v27;
	v9 =	vor.u32 $0x80, v26;
	v7 =	vor.u32 $0x80, v25;
	s29 =	sadd.s32 $0x400, s29;
	[tilespmem:s31+$0x190] =	vst v6;
	v1 =	vld.idx.msk [tilespmem:v1+s17+$0x0], $0xffff  }
0x8e: {  	v30 =	vor.u32 $0x80, v28;
	v31 =	vor.u32 $0x80, v21;
	v32 =	vor.u32 $0x80, v22;
	[tilespmem:s29+$0xFFFFFE70] =	vst v24;
	v0 =	vld.idx.msk [tilespmem:v0+s17+$0x0], $0xffff  }
0x8f: {  	v33 =	vor.u32 $0x100, v25;
	v34 =	vor.u32 $0x100, v26;
	v24 =	vor.u32 $0x100, v23;
	v6 =	vld.idx.msk [tilespmem:v10+s17+$0x0], $0xffff;
	[tilespmem:s31+$0x1A0] =	vst v5  }
0x90: {  	v35 =	vor.u32 $0x100, v27;
	v36 =	vor.u32 $0x100, v28;
	v37 =	vor.u32 $0x100, v21;
	v5 =	vld.idx.msk [tilespmem:v23+s17+$0x0], $0xffff;
	[tilespmem:s31+$0x1B0] =	vst v4  }
0x91: {  	v39 =	vor.u32 $0x100, v22;
	v38 =	vor.u32 $0x180, v23;
	v10 =	vor.u32 $0x100, v3;
	v4 =	vld.idx.msk [tilespmem:v25+s17+$0x0], $0xffff  }
0x92: {  	v40 =	vor.u32 $0x180, v25;
	v41 =	vor.u32 $0x180, v26;
	v42 =	vor.u32 $0x180, v27;
	v11 =	vld.idx.msk [tilespmem:v26+s17+$0x0], $0xffff;
	[tilespmem:s31+$0x1C0] =	vst v2  }
0x93: {  	v43 =	vor.u32 $0x180, v28;
	v44 =	vor.u32 $0x180, v21;
	v45 =	vor.u32 $0x180, v22;
	v2 =	vld.idx.msk [tilespmem:v27+s17+$0x0], $0xffff;
	[tilespmem:s31+$0x1D0] =	vst v1  }
0x94: {  	v47 =	vor.u32 $0x200, v25;
	v48 =	vor.u32 $0x200, v26;
	v46 =	vor.u32 $0x200, v23;
	v1 =	vld.idx.msk [tilespmem:v28+s17+$0x0], $0xffff;
	[tilespmem:s31+$0x1E0] =	vst v0;
	s31 =	smov.u32 s29  }
0x95: {  	v49 =	vor.u32 $0x200, v27;
	v50 =	vor.u32 $0x200, v28;
	v51 =	vor.u32 $0x200, v21;
	v0 =	vld.idx.msk [tilespmem:v21+s17+$0x0], $0xffff;
	[tilespmem:s29+$0xFFFFFEF0] =	vst v6  }
0x96: {  	v18 =	vor.u32 $0x280, v25;
	v53 =	vor.u32 $0x200, v22;
	v52 =	vor.u32 $0x280, v23;
	[tilespmem:s29+$0xFFFFFE00] =	vst v5;
	v54 =	vld.idx.msk [tilespmem:v10+s17+$0x0], $0xffff  }
0x97: {  	v20 =	vor.u32 $0x280, v26;
	v19 =	vor.u32 $0x280, v27;
	v15 =	vor.u32 $0x280, v28;
	[tilespmem:s29+$0xFFFFFE10] =	vst v4;
	v55 =	vld.idx.msk [tilespmem:v22+s17+$0x0], $0xffff  }
0x98: {  	v57 =	vor.u32 $0x180, v3;
	v17 =	vor.u32 $0x280, v21;
	v16 =	vor.u32 $0x280, v22;
	v56 =	vld.idx.msk [tilespmem:v8+s17+$0x0], $0xffff;
	[tilespmem:s29+$0xFFFFFE20] =	vst v11  }
0x99: {  	v13 =	vor.u32 $0x300, v25;
	v14 =	vor.u32 $0x300, v23;
	v10 =	vor.u32 $0x300, v26;
	v58 =	vld.idx.msk [tilespmem:v7+s17+$0x0], $0xffff;
	[tilespmem:s29+$0xFFFFFE30] =	vst v2  }
0x9a: {  	v12 =	vor.u32 $0x300, v27;
	v11 =	vor.u32 $0x300, v28;
	v8 =	vor.u32 $0x300, v21;
	v59 =	vld.idx.msk [tilespmem:v9+s17+$0x0], $0xffff;
	[tilespmem:s29+$0xFFFFFE40] =	vst v1  }
0x9b: {  	v6 =	vor.u32 $0x380, v25;
	v7 =	vor.u32 $0x380, v23;
	v9 =	vor.u32 $0x300, v22;
	v23 =	vld.idx.msk [tilespmem:v29+s17+$0x0], $0xffff;
	[tilespmem:s29+$0xFFFFFE50] =	vst v0  }
0x9c: {  	v5 =	vor.u32 $0x380, v26;
	v4 =	vor.u32 $0x380, v27;
	v2 =	vor.u32 $0x380, v28;
	v25 =	vld.idx.msk [tilespmem:v30+s17+$0x0], $0xffff;
	[tilespmem:s29+$0xFFFFFF70] =	vst v54  }
0x9d: {  	v1 =	vor.u32 $0x380, v21;
	v0 =	vor.u32 $0x380, v22;
	[tilespmem:s29+$0xFFFFFE60] =	vst v55;
	v21 =	vld.idx.msk [tilespmem:v57+s17+$0x0], $0xffff  }
0x9e: {  	[tilespmem:s29+$0xFFFFFE80] =	vst v56;
	v22 =	vld.idx.msk [tilespmem:v31+s17+$0x0], $0xffff  }
0x9f: {  	v27 =	vor.u32 $0x200, v3;
	[tilespmem:s29+$0xFFFFFE90] =	vst v58;
	v26 =	vld.idx.msk [tilespmem:v32+s17+$0x0], $0xffff  }
0xa0: {  	v24 =	vld.idx.msk [tilespmem:v24+s17+$0x0], $0xffff;
	[tilespmem:s29+$0xFFFFFEA0] =	vst v59  }
0xa1: {  	v28 =	vld.idx.msk [tilespmem:v33+s17+$0x0], $0xffff;
	[tilespmem:s29+$0xFFFFFEB0] =	vst v23  }
0xa2: {  	v23 =	vld.idx.msk [tilespmem:v34+s17+$0x0], $0xffff;
	[tilespmem:s29+$0xFFFFFEC0] =	vst v25  }
0xa3: {  	v25 =	vld.idx.msk [tilespmem:v35+s17+$0x0], $0xffff;
	[tilespmem:s29+$0xFFFFFFF0] =	vst v21  }
0xa4: {  	[tilespmem:s29+$0xFFFFFED0] =	vst v22;
	v21 =	vld.idx.msk [tilespmem:v27+s17+$0x0], $0xffff  }
0xa5: {  	v22 =	vld.idx.msk [tilespmem:v36+s17+$0x0], $0xffff;
	[tilespmem:s29+$0xFFFFFEE0] =	vst v26  }
0xa6: {  	v26 =	vor.u32 $0x280, v3;
	[tilespmem:s29+$0xFFFFFF00] =	vst v24;
	v24 =	vld.idx.msk [tilespmem:v37+s17+$0x0], $0xffff  }
0xa7: {  	[tilespmem:s29+$0xFFFFFF10] =	vst v28;
	v27 =	vld.idx.msk [tilespmem:v39+s17+$0x0], $0xffff  }
0xa8: {  	v28 =	vld.idx.msk [tilespmem:v38+s17+$0x0], $0xffff;
	[tilespmem:s29+$0xFFFFFF20] =	vst v23  }
0xa9: {  	v23 =	vld.idx.msk [tilespmem:v40+s17+$0x0], $0xffff;
	[tilespmem:s29+$0xFFFFFF30] =	vst v25  }
0xaa: {  	v25 =	vld.idx.msk [tilespmem:v41+s17+$0x0], $0xffff;
	[tilespmem:s29+$0x70] =	vst v21  }
0xab: {  	[tilespmem:s29+$0xFFFFFF40] =	vst v22;
	v21 =	vld.idx.msk [tilespmem:v26+s17+$0x0], $0xffff  }
0xac: {  	v22 =	vld.idx.msk [tilespmem:v42+s17+$0x0], $0xffff;
	[tilespmem:s29+$0xFFFFFF50] =	vst v24  }
0xad: {  	v26 =	vor.u32 $0x300, v3;
	v24 =	vld.idx.msk [tilespmem:v43+s17+$0x0], $0xffff;
	[tilespmem:s29+$0xFFFFFF60] =	vst v27  }
0xae: {  	[tilespmem:s29+$0xFFFFFF80] =	vst v28;
	v27 =	vld.idx.msk [tilespmem:v44+s17+$0x0], $0xffff  }
0xaf: {  	[tilespmem:s29+$0xFFFFFF90] =	vst v23;
	v23 =	vld.idx.msk [tilespmem:v45+s17+$0x0], $0xffff  }
0xb0: {  	v28 =	vld.idx.msk [tilespmem:v46+s17+$0x0], $0xffff;
	[tilespmem:s29+$0xFFFFFFA0] =	vst v25  }
0xb1: {  	v25 =	vld.idx.msk [tilespmem:v47+s17+$0x0], $0xffff;
	[tilespmem:s29+$0xF0] =	vst v21  }
0xb2: {  	[tilespmem:s29+$0xFFFFFFB0] =	vst v22;
	v21 =	vld.idx.msk [tilespmem:v26+s17+$0x0], $0xffff  }
0xb3: {  	v22 =	vld.idx.msk [tilespmem:v48+s17+$0x0], $0xffff;
	[tilespmem:s29+$0xFFFFFFC0] =	vst v24  }
0xb4: {  	v3 =	vor.u32 $0x380, v3;
	v24 =	vld.idx.msk [tilespmem:v49+s17+$0x0], $0xffff;
	[tilespmem:s29+$0xFFFFFFD0] =	vst v27  }
0xb5: {  	v26 =	vld.idx.msk [tilespmem:v50+s17+$0x0], $0xffff;
	[tilespmem:s29+$0xFFFFFFE0] =	vst v23  }
0xb6: {  	[tilespmem:s29+$0x0] =	vst v28;
	v23 =	vld.idx.msk [tilespmem:v51+s17+$0x0], $0xffff  }
0xb7: {  	[tilespmem:s29+$0x10] =	vst v25;
	v25 =	vld.idx.msk [tilespmem:v53+s17+$0x0], $0xffff  }
0xb8: {  	v27 =	vld.idx.msk [tilespmem:v52+s17+$0x0], $0xffff;
	[tilespmem:s29+$0x170] =	vst v21  }
0xb9: {  	[tilespmem:s29+$0x20] =	vst v22;
	v3 =	vld.idx.msk [tilespmem:v3+s17+$0x0], $0xffff  }
0xba: {  	v18 =	vld.idx.msk [tilespmem:v18+s17+$0x0], $0xffff;
	[tilespmem:s29+$0x30] =	vst v24  }
0xbb: {  	v20 =	vld.idx.msk [tilespmem:v20+s17+$0x0], $0xffff;
	[tilespmem:s29+$0x40] =	vst v26  }
0xbc: {  	v19 =	vld.idx.msk [tilespmem:v19+s17+$0x0], $0xffff;
	[tilespmem:s29+$0x50] =	vst v23  }
0xbd: {  	v21 =	vld.idx.msk [tilespmem:v15+s17+$0x0], $0xffff;
	[tilespmem:s29+$0x60] =	vst v25  }
0xbe: {  	[tilespmem:s29+$0x80] =	vst v27;
	v17 =	vld.idx.msk [tilespmem:v17+s17+$0x0], $0xffff  }
0xbf: {  	v15 =	vld.idx.msk [tilespmem:v16+s17+$0x0], $0xffff;
	[tilespmem:s29+$0x1F0] =	vst v3  }
.Ltmp4:
0xc0: {  	v14 =	vld.idx.msk [tilespmem:v14+s17+$0x0], $0xffff;
	[tilespmem:s29+$0x90] =	vst v18;
	(pc) =	sbr.rel @p1 .LBB2_11-.Ltmp4, $4  }
0xc1: {  	v13 =	vld.idx.msk [tilespmem:v13+s17+$0x0], $0xffff;
	[tilespmem:s29+$0xA0] =	vst v20  }
0xc2: {  	v16 =	vld.idx.msk [tilespmem:v10+s17+$0x0], $0xffff;
	[tilespmem:s29+$0xB0] =	vst v19  }
0xc3: {  	v3 =	vld.idx.msk [tilespmem:v12+s17+$0x0], $0xffff;
	[tilespmem:s29+$0xC0] =	vst v21  }
0xc4: {  	s4 =	sadd.s32 $0x80, s4;
	v10 =	vld.idx.msk [tilespmem:v11+s17+$0x0], $0xffff;
	[tilespmem:s29+$0xD0] =	vst v17  }
0xc5: {  	_ =	sdelay $0x2  }
0xc6: {  	[tilespmem:s29+$0xE0] =	vst v15  }
0xc7: {  	[tilespmem:s29+$0x100] =	vst v14;
	v8 =	vld.idx.msk [tilespmem:v8+s17+$0x0], $0xffff  }
0xc8: {  	[tilespmem:s29+$0x110] =	vst v13;
	v9 =	vld.idx.msk [tilespmem:v9+s17+$0x0], $0xffff  }
0xc9: {  	v7 =	vld.idx.msk [tilespmem:v7+s17+$0x0], $0xffff;
	[tilespmem:s29+$0x120] =	vst v16  }
0xca: {  	[tilespmem:s29+$0x130] =	vst v3;
	v3 =	vld.idx.msk [tilespmem:v6+s17+$0x0], $0xffff  }
0xcb: {  	v5 =	vld.idx.msk [tilespmem:v5+s17+$0x0], $0xffff;
	[tilespmem:s29+$0x140] =	vst v10  }
0xcc: {  	v4 =	vld.idx.msk [tilespmem:v4+s17+$0x0], $0xffff;
	[tilespmem:s29+$0x150] =	vst v8  }
0xcd: {  	v2 =	vld.idx.msk [tilespmem:v2+s17+$0x0], $0xffff;
	[tilespmem:s29+$0x160] =	vst v9  }
0xce: {  	[tilespmem:s29+$0x180] =	vst v7;
	v1 =	vld.idx.msk [tilespmem:v1+s17+$0x0], $0xffff  }
0xcf: {  	v0 =	vld.idx.msk [tilespmem:v0+s17+$0x0], $0xffff;
	[tilespmem:s31+$0x190] =	vst v3  }
0xd0: {  	[tilespmem:s31+$0x1A0] =	vst v5  }
0xd1: {  	[tilespmem:s31+$0x1B0] =	vst v4  }
0xd2: {  	s29 =	sshll.u32 s26, $0xD;
	[tilespmem:s31+$0x1C0] =	vst v2  }
0xd3: {  	s30 =	sadd.s32 s6, s29;
	[tilespmem:s31+$0x1D0] =	vst v1  }
0xd4: {  	s0 =	sadd.s32 s3, s30;
	[tilespmem:s31+$0x1E0] =	vst v0  }
0xd5: {  	[hbm4b:s0+s5] =	stream.linear.scatter [tilespmem:s18], [sflag:$0x5], $0x4000, $0x38;
	[tilespmem:$0x19000] =	vst v63  }
0xd6: {  	s0 =	simm.s32 @!p0 $0x6  }
0xd7: {  	_ =	swait.ge @!p0 [sflag:s0], $0x4000  }
0xd8: {  	[sflag:s0] =	ssyncset.done @!p0 $0x0  }
0xd9: {  	s4 =	simm.s32 $0x870;
	[sflag:s0] =	ssyncadd.s32 @!p0 $0xFFFFC000  }
0xda: {  	v0 =	vld [tilespmem:s4+$0x0];
	_ =	sdelay $0x3  }
0xdb: {  	v1 =	vld [tilespmem:s4+$0xFFFFFFA0]  }
0xdc: {  	v2 =	vshll.u32 v0, $0x3  }
0xdd: {  	v3 =	vld [tilespmem:s4+$0xFFFFFFB0];
	v0 =	vand.u32 $0x7F, v0;
	v2 =	vand.u32 $0xFFFFFC00, v2  }
0xde: {  	v5 =	vld [tilespmem:s4+$0xFFFFFF90];
	v4 =	vor.u32 v0, v2;
	_ =	sdelay $0x1  }
0xdf: {  	v2 =	vld [tilespmem:s4+$0xFFFFFFC0];
	v0 =	vshll.u32 v1, $0x3  }
0xe0: {  	v7 =	vld [tilespmem:s4+$0xFFFFFFE0];
	v1 =	vand.u32 $0x7F, v1;
	v8 =	vand.u32 $0xFFFFFC00, v0  }
0xe1: {  	v6 =	vld [tilespmem:s4+$0xFFFFFFD0];
	v0 =	vshll.u32 v3, $0x3;
	v1 =	vor.u32 v1, v8  }
0xe2: {  	v11 =	vor.u32 $0x80, v4;
	v9 =	vand.u32 $0xFFFFFC00, v0;
	v0 =	vshll.u32 v5, $0x3;
	v10 =	vld.idx.msk [tilespmem:v4+s17+$0x0], $0xffff  }
0xe3: {  	v12 =	vld [tilespmem:s4+$0xFFFFFFF0];
	v3 =	vand.u32 $0x7F, v3;
	v5 =	vand.u32 $0x7F, v5;
	v0 =	vand.u32 $0xFFFFFC00, v0  }
0xe4: {  	v0 =	vor.u32 v5, v0;
	v13 =	vshll.u32 v2, $0x3;
	v8 =	vand.u32 $0x7F, v2  }
0xe5: {  	v2 =	vor.u32 v3, v9;
	v9 =	vshll.u32 v7, $0x3;
	v5 =	vand.u32 $0xFFFFFC00, v13  }
0xe6: {  	s31 =	simm.s32 $0x15200;
	v13 =	vshll.u32 v6, $0x3;
	v3 =	vor.u32 v8, v5;
	v5 =	vand.u32 $0xFFFFFC00, v9;
	v9 =	vld.idx.msk [tilespmem:v1+s17+$0x0], $0xffff  }
0xe7: {  	v15 =	vor.u32 $0x80, v1;
	v6 =	vand.u32 $0x7F, v6;
	v13 =	vand.u32 $0xFFFFFC00, v13;
	[tilespmem:s31+$0xFFFFFE70] =	vst v10  }
0xe8: {  	v7 =	vand.u32 $0x7F, v7;
	v8 =	vshll.u32 v12, $0x3;
	v10 =	vor.u32 v6, v13;
	v6 =	vld.idx.msk [tilespmem:v11+s17+$0x0], $0xffff  }
0xe9: {  	v11 =	vor.u32 v7, v5;
	v5 =	vld.idx.msk [tilespmem:v0+s17+$0x0], $0xffff;
	v7 =	vand.u32 $0xFFFFFC00, v8;
	v8 =	vand.u32 $0x7F, v12  }
0xea: {  	v13 =	vor.u32 $0x100, v4;
	v12 =	vor.u32 v8, v7;
	v7 =	vld.idx.msk [tilespmem:v2+s17+$0x0], $0xffff  }
0xeb: {  	v8 =	vor.u32 $0x80, v0;
	v14 =	vld.idx.msk [tilespmem:v3+s17+$0x0], $0xffff;
	[tilespmem:s31+$0xFFFFFE10] =	vst v9  }
0xec: {  	v15 =	vld.idx.msk [tilespmem:v15+s17+$0x0], $0xffff  }
0xed: {  	v17 =	vor.u32 $0x80, v2;
	v16 =	vld.idx.msk [tilespmem:v10+s17+$0x0], $0xffff  }
0xee: {  	v18 =	vld.idx.msk [tilespmem:v11+s17+$0x0], $0xffff;
	[tilespmem:s31+$0xFFFFFEF0] =	vst v6;
	v6 =	vor.u32 $0x80, v3  }
0xef: {  	[tilespmem:s31+$0xFFFFFE00] =	vst v5;
	v5 =	vld.idx.msk [tilespmem:v13+s17+$0x0], $0xffff;
	v13 =	vor.u32 $0x80, v10  }
0xf0: {  	v19 =	vor.u32 $0x80, v11;
	v8 =	vld.idx.msk [tilespmem:v8+s17+$0x0], $0xffff;
	[tilespmem:s31+$0xFFFFFE20] =	vst v7  }
0xf1: {  	v9 =	vld.idx.msk [tilespmem:v12+s17+$0x0], $0xffff;
	v7 =	vor.u32 $0x180, v4;
	[tilespmem:s31+$0xFFFFFE30] =	vst v14  }
0xf2: {  	v14 =	vor.u32 $0x80, v12;
	v17 =	vld.idx.msk [tilespmem:v17+s17+$0x0], $0xffff;
	[tilespmem:s31+$0xFFFFFE40] =	vst v16  }
0xf3: {  	v16 =	vor.u32 $0x100, v0;
	v6 =	vld.idx.msk [tilespmem:v6+s17+$0x0], $0xffff;
	[tilespmem:s31+$0xFFFFFE50] =	vst v18  }
0xf4: {  	v18 =	vor.u32 $0x100, v1;
	v13 =	vld.idx.msk [tilespmem:v13+s17+$0x0], $0xffff;
	[tilespmem:s31+$0xFFFFFF70] =	vst v5  }
0xf5: {  	v5 =	vor.u32 $0x100, v2;
	[tilespmem:s31+$0xFFFFFE80] =	vst v8;
	v8 =	vld.idx.msk [tilespmem:v19+s17+$0x0], $0xffff  }
0xf6: {  	[tilespmem:s31+$0xFFFFFE60] =	vst v9;
	v9 =	vor.u32 $0x100, v3;
	v7 =	vld.idx.msk [tilespmem:v7+s17+$0x0], $0xffff  }
0xf7: {  	[tilespmem:s31+$0xFFFFFE90] =	vst v15;
	v19 =	vor.u32 $0x100, v10;
	v14 =	vld.idx.msk [tilespmem:v14+s17+$0x0], $0xffff  }
0xf8: {  	[tilespmem:s31+$0xFFFFFEA0] =	vst v17;
	v17 =	vor.u32 $0x100, v11;
	v16 =	vld.idx.msk [tilespmem:v16+s17+$0x0], $0xffff  }
0xf9: {  	v15 =	vor.u32 $0x200, v4;
	v18 =	vld.idx.msk [tilespmem:v18+s17+$0x0], $0xffff;
	[tilespmem:s31+$0xFFFFFEB0] =	vst v6  }
0xfa: {  	v6 =	vor.u32 $0x100, v12;
	v5 =	vld.idx.msk [tilespmem:v5+s17+$0x0], $0xffff;
	[tilespmem:s31+$0xFFFFFEC0] =	vst v13  }
0xfb: {  	v13 =	vor.u32 $0x180, v0;
	v9 =	vld.idx.msk [tilespmem:v9+s17+$0x0], $0xffff;
	[tilespmem:s31+$0xFFFFFED0] =	vst v8  }
0xfc: {  	[tilespmem:s31+$0xFFFFFFF0] =	vst v7;
	v7 =	vor.u32 $0x180, v1;
	v19 =	vld.idx.msk [tilespmem:v19+s17+$0x0], $0xffff  }
0xfd: {  	[tilespmem:s31+$0xFFFFFEE0] =	vst v14;
	v14 =	vld.idx.msk [tilespmem:v17+s17+$0x0], $0xffff;
	v17 =	vor.u32 $0x180, v3  }
0xfe: {  	v8 =	vld.idx.msk [tilespmem:v15+s17+$0x0], $0xffff;
	v15 =	vor.u32 $0x180, v2;
	[tilespmem:s31+$0xFFFFFF00] =	vst v16  }
0xff: {  	v16 =	vor.u32 $0x280, v4;
	[tilespmem:s31+$0xFFFFFF10] =	vst v18;
	v6 =	vld.idx.msk [tilespmem:v6+s17+$0x0], $0xffff  }
0x100: {  	v18 =	vor.u32 $0x180, v10;
	v13 =	vld.idx.msk [tilespmem:v13+s17+$0x0], $0xffff;
	[tilespmem:s31+$0xFFFFFF20] =	vst v5  }
0x101: {  	v5 =	vor.u32 $0x180, v11;
	[tilespmem:s31+$0xFFFFFF30] =	vst v9;
	v7 =	vld.idx.msk [tilespmem:v7+s17+$0x0], $0xffff  }
0x102: {  	v9 =	vor.u32 $0x180, v12;
	[tilespmem:s31+$0xFFFFFF40] =	vst v19;
	v17 =	vld.idx.msk [tilespmem:v17+s17+$0x0], $0xffff  }
0x103: {  	v15 =	vld.idx.msk [tilespmem:v15+s17+$0x0], $0xffff;
	[tilespmem:s31+$0x70] =	vst v8;
	v8 =	vor.u32 $0x200, v0  }
0x104: {  	v19 =	vor.u32 $0x200, v1;
	[tilespmem:s31+$0xFFFFFF50] =	vst v14;
	v16 =	vld.idx.msk [tilespmem:v16+s17+$0x0], $0xffff  }
0x105: {  	v14 =	vld.idx.msk [tilespmem:v18+s17+$0x0], $0xffff;
	[tilespmem:s31+$0xFFFFFF60] =	vst v6;
	v6 =	vor.u32 $0x300, v4  }
0x106: {  	v18 =	vor.u32 $0x200, v2;
	[tilespmem:s31+$0xFFFFFF80] =	vst v13;
	v5 =	vld.idx.msk [tilespmem:v5+s17+$0x0], $0xffff  }
0x107: {  	v13 =	vor.u32 $0x200, v3;
	[tilespmem:s31+$0xFFFFFF90] =	vst v7;
	v7 =	vld.idx.msk [tilespmem:v9+s17+$0x0], $0xffff  }
0x108: {  	v9 =	vor.u32 $0x200, v10;
	v8 =	vld.idx.msk [tilespmem:v8+s17+$0x0], $0xffff;
	[tilespmem:s31+$0xFFFFFFA0] =	vst v15  }
0x109: {  	v15 =	vor.u32 $0x200, v11;
	v19 =	vld.idx.msk [tilespmem:v19+s17+$0x0], $0xffff;
	[tilespmem:s31+$0xF0] =	vst v16  }
0x10a: {  	[tilespmem:s31+$0xFFFFFFB0] =	vst v17;
	v16 =	vor.u32 $0x200, v12;
	v6 =	vld.idx.msk [tilespmem:v6+s17+$0x0], $0xffff  }
0x10b: {  	v17 =	vor.u32 $0x280, v0;
	v18 =	vld.idx.msk [tilespmem:v18+s17+$0x0], $0xffff;
	[tilespmem:s31+$0xFFFFFFC0] =	vst v14  }
0x10c: {  	v4 =	vor.u32 $0x380, v4;
	v13 =	vld.idx.msk [tilespmem:v13+s17+$0x0], $0xffff;
	[tilespmem:s31+$0xFFFFFFD0] =	vst v5  }
0x10d: {  	v5 =	vor.u32 $0x280, v1;
	v9 =	vld.idx.msk [tilespmem:v9+s17+$0x0], $0xffff;
	[tilespmem:s31+$0xFFFFFFE0] =	vst v7  }
0x10e: {  	v7 =	vor.u32 $0x280, v2;
	[tilespmem:s31+$0x0] =	vst v8;
	v8 =	vld.idx.msk [tilespmem:v15+s17+$0x0], $0xffff  }
0x10f: {  	v14 =	vor.u32 $0x280, v3;
	[tilespmem:s31+$0x10] =	vst v19;
	v15 =	vld.idx.msk [tilespmem:v16+s17+$0x0], $0xffff  }
0x110: {  	v16 =	vor.u32 $0x280, v10;
	v17 =	vld.idx.msk [tilespmem:v17+s17+$0x0], $0xffff;
	[tilespmem:s31+$0x170] =	vst v6  }
0x111: {  	v6 =	vor.u32 $0x280, v11;
	[tilespmem:s31+$0x20] =	vst v18;
	v4 =	vld.idx.msk [tilespmem:v4+s17+$0x0], $0xffff  }
0x112: {  	v18 =	vor.u32 $0x280, v12;
	v5 =	vld.idx.msk [tilespmem:v5+s17+$0x0], $0xffff;
	[tilespmem:s31+$0x30] =	vst v13  }
0x113: {  	v13 =	vor.u32 $0x300, v0;
	v7 =	vld.idx.msk [tilespmem:v7+s17+$0x0], $0xffff;
	[tilespmem:s31+$0x40] =	vst v9  }
0x114: {  	v9 =	vor.u32 $0x300, v1;
	v19 =	vld.idx.msk [tilespmem:v14+s17+$0x0], $0xffff;
	[tilespmem:s31+$0x50] =	vst v8  }
0x115: {  	v20 =	vor.u32 $0x300, v2;
	v21 =	vld.idx.msk [tilespmem:v16+s17+$0x0], $0xffff;
	[tilespmem:s31+$0x60] =	vst v15  }
0x116: {  	v22 =	vor.u32 $0x300, v3;
	[tilespmem:s31+$0x80] =	vst v17;
	v17 =	vld.idx.msk [tilespmem:v6+s17+$0x0], $0xffff  }
0x117: {  	v23 =	vor.u32 $0x300, v10;
	v15 =	vld.idx.msk [tilespmem:v18+s17+$0x0], $0xffff;
	[tilespmem:s31+$0x1F0] =	vst v4  }
0x118: {  	v14 =	vld.idx.msk [tilespmem:v13+s17+$0x0], $0xffff;
	[tilespmem:s31+$0x90] =	vst v5  }
0x119: {  	v13 =	vld.idx.msk [tilespmem:v9+s17+$0x0], $0xffff;
	[tilespmem:s31+$0xA0] =	vst v7  }
0x11a: {  	v8 =	vor.u32 $0x300, v11;
	v6 =	vor.u32 $0x380, v1;
	v1 =	vor.u32 $0x380, v11;
	[tilespmem:s31+$0xB0] =	vst v19;
	v16 =	vld.idx.msk [tilespmem:v20+s17+$0x0], $0xffff  }
0x11b: {  	v5 =	vor.u32 $0x380, v2;
	v4 =	vor.u32 $0x380, v3;
	v2 =	vor.u32 $0x380, v10;
	v3 =	vld.idx.msk [tilespmem:v22+s17+$0x0], $0xffff;
	[tilespmem:s31+$0xC0] =	vst v21  }
0x11c: {  	s2 =	simm.s32 $0x8F0;
	s0 =	simm.s32 $0x15200;
	s4 =	simm.s32 $0x0;
	v7 =	vor.u32 $0x380, v0;
	v9 =	vor.u32 $0x300, v12;
	v0 =	vor.u32 $0x380, v12;
	v10 =	vld.idx.msk [tilespmem:v23+s17+$0x0], $0xffff;
	[tilespmem:s31+$0xD0] =	vst v17  }
.LBB2_13:
0x11d: {  	v11 =	vld [tilespmem:s2+$0x0];
	s4 =	sadd.s32 $0x8, s4;
	[tilespmem:s31+$0xE0] =	vst v15  }
0x11e: {  	v12 =	vld [tilespmem:s2+$0xFFFFFFA0];
	p0 =	slt.u32 s4, $0x78;
	[tilespmem:s31+$0x100] =	vst v14  }
0x11f: {  	v14 =	vld [tilespmem:s2+$0xFFFFFFB0];
	[tilespmem:s31+$0x110] =	vst v13  }
0x120: {  	v13 =	vld [tilespmem:s2+$0xFFFFFFC0];
	[tilespmem:s31+$0x120] =	vst v16  }
0x121: {  	v15 =	vld [tilespmem:s2+$0xFFFFFFD0];
	[tilespmem:s31+$0x130] =	vst v3  }
0x122: {  	v16 =	vld [tilespmem:s2+$0xFFFFFFE0];
	v3 =	vshll.u32 v11, $0x3;
	[tilespmem:s31+$0x140] =	vst v10  }
0x123: {  	v11 =	vand.u32 $0x7F, v11;
	v10 =	vshll.u32 v12, $0x3;
	v17 =	vld [tilespmem:s2+$0xFFFFFFF0];
	v3 =	vand.u32 $0xFFFFFC00, v3  }
0x124: {  	v18 =	vld [tilespmem:s2+$0xFFFFFF90];
	v10 =	vand.u32 $0xFFFFFC00, v10;
	v19 =	vshll.u32 v14, $0x3;
	v3 =	vor.u32 v11, v3  }
0x125: {  	v11 =	vand.u32 $0x7F, v12;
	v12 =	vand.u32 $0xFFFFFC00, v19;
	v19 =	vshll.u32 v13, $0x3;
	v8 =	vld.idx.msk [tilespmem:v8+s17+$0x0], $0xffff  }
0x126: {  	v14 =	vand.u32 $0x7F, v14;
	v19 =	vand.u32 $0xFFFFFC00, v19;
	v20 =	vshll.u32 v15, $0x3;
	v9 =	vld.idx.msk [tilespmem:v9+s17+$0x0], $0xffff  }
0x127: {  	v13 =	vand.u32 $0x7F, v13;
	v20 =	vand.u32 $0xFFFFFC00, v20;
	v21 =	vshll.u32 v16, $0x3;
	v7 =	vld.idx.msk [tilespmem:v7+s17+$0x0], $0xffff  }
0x128: {  	v15 =	vand.u32 $0x7F, v15;
	v21 =	vand.u32 $0xFFFFFC00, v21;
	v22 =	vshll.u32 v17, $0x3;
	v6 =	vld.idx.msk [tilespmem:v6+s17+$0x0], $0xffff  }
0x129: {  	v23 =	vand.u32 $0x7F, v18;
	v18 =	vshll.u32 v18, $0x3;
	v22 =	vand.u32 $0xFFFFFC00, v22;
	v24 =	vld.idx.msk [tilespmem:v3+s17+$0x0], $0xffff  }
0x12a: {  	v16 =	vand.u32 $0x7F, v16;
	v17 =	vand.u32 $0x7F, v17;
	v18 =	vand.u32 $0xFFFFFC00, v18;
	v5 =	vld.idx.msk [tilespmem:v5+s17+$0x0], $0xffff  }
0x12b: {  	v25 =	vor.u32 v11, v10;
	v10 =	vor.u32 $0x80, v3;
	v23 =	vor.u32 v23, v18;
	v4 =	vld.idx.msk [tilespmem:v4+s17+$0x0], $0xffff;
	[tilespmem:s31+$0x150] =	vst v8  }
0x12c: {  	v26 =	vor.u32 v14, v12;
	v27 =	vor.u32 v13, v19;
	v28 =	vor.u32 v15, v20;
	[tilespmem:s31+$0x160] =	vst v9  }
0x12d: {  	v21 =	vor.u32 v16, v21;
	v22 =	vor.u32 v17, v22;
	v8 =	vor.u32 $0x80, v23;
	[tilespmem:s31+$0x180] =	vst v7;
	v2 =	vld.idx.msk [tilespmem:v2+s17+$0x0], $0xffff  }
0x12e: {  	v29 =	vor.u32 $0x80, v27;
	v9 =	vor.u32 $0x80, v26;
	v7 =	vor.u32 $0x80, v25;
	s31 =	sadd.s32 $0x400, s31;
	[tilespmem:s0+$0x190] =	vst v6;
	v1 =	vld.idx.msk [tilespmem:v1+s17+$0x0], $0xffff  }
0x12f: {  	v30 =	vor.u32 $0x80, v28;
	v31 =	vor.u32 $0x80, v21;
	v32 =	vor.u32 $0x80, v22;
	[tilespmem:s31+$0xFFFFFE70] =	vst v24;
	v0 =	vld.idx.msk [tilespmem:v0+s17+$0x0], $0xffff  }
0x130: {  	v33 =	vor.u32 $0x100, v25;
	v34 =	vor.u32 $0x100, v26;
	v24 =	vor.u32 $0x100, v23;
	v6 =	vld.idx.msk [tilespmem:v10+s17+$0x0], $0xffff;
	[tilespmem:s0+$0x1A0] =	vst v5  }
0x131: {  	v35 =	vor.u32 $0x100, v27;
	v36 =	vor.u32 $0x100, v28;
	v37 =	vor.u32 $0x100, v21;
	v5 =	vld.idx.msk [tilespmem:v23+s17+$0x0], $0xffff;
	[tilespmem:s0+$0x1B0] =	vst v4  }
0x132: {  	v39 =	vor.u32 $0x100, v22;
	v38 =	vor.u32 $0x180, v23;
	v10 =	vor.u32 $0x100, v3;
	v4 =	vld.idx.msk [tilespmem:v25+s17+$0x0], $0xffff  }
0x133: {  	v40 =	vor.u32 $0x180, v25;
	v41 =	vor.u32 $0x180, v26;
	v42 =	vor.u32 $0x180, v27;
	v11 =	vld.idx.msk [tilespmem:v26+s17+$0x0], $0xffff;
	[tilespmem:s0+$0x1C0] =	vst v2  }
0x134: {  	v43 =	vor.u32 $0x180, v28;
	v44 =	vor.u32 $0x180, v21;
	v45 =	vor.u32 $0x180, v22;
	v2 =	vld.idx.msk [tilespmem:v27+s17+$0x0], $0xffff;
	[tilespmem:s0+$0x1D0] =	vst v1  }
0x135: {  	v47 =	vor.u32 $0x200, v25;
	v48 =	vor.u32 $0x200, v26;
	v46 =	vor.u32 $0x200, v23;
	v1 =	vld.idx.msk [tilespmem:v28+s17+$0x0], $0xffff;
	[tilespmem:s0+$0x1E0] =	vst v0;
	s0 =	smov.u32 s31  }
0x136: {  	v49 =	vor.u32 $0x200, v27;
	v50 =	vor.u32 $0x200, v28;
	v51 =	vor.u32 $0x200, v21;
	v0 =	vld.idx.msk [tilespmem:v21+s17+$0x0], $0xffff;
	[tilespmem:s31+$0xFFFFFEF0] =	vst v6  }
0x137: {  	v18 =	vor.u32 $0x280, v25;
	v53 =	vor.u32 $0x200, v22;
	v52 =	vor.u32 $0x280, v23;
	[tilespmem:s31+$0xFFFFFE00] =	vst v5;
	v54 =	vld.idx.msk [tilespmem:v10+s17+$0x0], $0xffff  }
0x138: {  	v20 =	vor.u32 $0x280, v26;
	v19 =	vor.u32 $0x280, v27;
	v15 =	vor.u32 $0x280, v28;
	[tilespmem:s31+$0xFFFFFE10] =	vst v4;
	v55 =	vld.idx.msk [tilespmem:v22+s17+$0x0], $0xffff  }
0x139: {  	v57 =	vor.u32 $0x180, v3;
	v17 =	vor.u32 $0x280, v21;
	v16 =	vor.u32 $0x280, v22;
	v56 =	vld.idx.msk [tilespmem:v8+s17+$0x0], $0xffff;
	[tilespmem:s31+$0xFFFFFE20] =	vst v11  }
0x13a: {  	v13 =	vor.u32 $0x300, v25;
	v14 =	vor.u32 $0x300, v23;
	v10 =	vor.u32 $0x300, v26;
	v58 =	vld.idx.msk [tilespmem:v7+s17+$0x0], $0xffff;
	[tilespmem:s31+$0xFFFFFE30] =	vst v2  }
0x13b: {  	v12 =	vor.u32 $0x300, v27;
	v11 =	vor.u32 $0x300, v28;
	v8 =	vor.u32 $0x300, v21;
	v59 =	vld.idx.msk [tilespmem:v9+s17+$0x0], $0xffff;
	[tilespmem:s31+$0xFFFFFE40] =	vst v1  }
0x13c: {  	v6 =	vor.u32 $0x380, v25;
	v7 =	vor.u32 $0x380, v23;
	v9 =	vor.u32 $0x300, v22;
	v23 =	vld.idx.msk [tilespmem:v29+s17+$0x0], $0xffff;
	[tilespmem:s31+$0xFFFFFE50] =	vst v0  }
0x13d: {  	v5 =	vor.u32 $0x380, v26;
	v4 =	vor.u32 $0x380, v27;
	v2 =	vor.u32 $0x380, v28;
	v25 =	vld.idx.msk [tilespmem:v30+s17+$0x0], $0xffff;
	[tilespmem:s31+$0xFFFFFF70] =	vst v54  }
0x13e: {  	v1 =	vor.u32 $0x380, v21;
	v0 =	vor.u32 $0x380, v22;
	[tilespmem:s31+$0xFFFFFE60] =	vst v55;
	v21 =	vld.idx.msk [tilespmem:v57+s17+$0x0], $0xffff  }
0x13f: {  	[tilespmem:s31+$0xFFFFFE80] =	vst v56;
	v22 =	vld.idx.msk [tilespmem:v31+s17+$0x0], $0xffff  }
0x140: {  	v27 =	vor.u32 $0x200, v3;
	[tilespmem:s31+$0xFFFFFE90] =	vst v58;
	v26 =	vld.idx.msk [tilespmem:v32+s17+$0x0], $0xffff  }
0x141: {  	v24 =	vld.idx.msk [tilespmem:v24+s17+$0x0], $0xffff;
	[tilespmem:s31+$0xFFFFFEA0] =	vst v59  }
0x142: {  	v28 =	vld.idx.msk [tilespmem:v33+s17+$0x0], $0xffff;
	[tilespmem:s31+$0xFFFFFEB0] =	vst v23  }
0x143: {  	v23 =	vld.idx.msk [tilespmem:v34+s17+$0x0], $0xffff;
	[tilespmem:s31+$0xFFFFFEC0] =	vst v25  }
0x144: {  	v25 =	vld.idx.msk [tilespmem:v35+s17+$0x0], $0xffff;
	[tilespmem:s31+$0xFFFFFFF0] =	vst v21  }
0x145: {  	[tilespmem:s31+$0xFFFFFED0] =	vst v22;
	v21 =	vld.idx.msk [tilespmem:v27+s17+$0x0], $0xffff  }
0x146: {  	v22 =	vld.idx.msk [tilespmem:v36+s17+$0x0], $0xffff;
	[tilespmem:s31+$0xFFFFFEE0] =	vst v26  }
0x147: {  	v26 =	vor.u32 $0x280, v3;
	[tilespmem:s31+$0xFFFFFF00] =	vst v24;
	v24 =	vld.idx.msk [tilespmem:v37+s17+$0x0], $0xffff  }
0x148: {  	[tilespmem:s31+$0xFFFFFF10] =	vst v28;
	v27 =	vld.idx.msk [tilespmem:v39+s17+$0x0], $0xffff  }
0x149: {  	v28 =	vld.idx.msk [tilespmem:v38+s17+$0x0], $0xffff;
	[tilespmem:s31+$0xFFFFFF20] =	vst v23  }
0x14a: {  	v23 =	vld.idx.msk [tilespmem:v40+s17+$0x0], $0xffff;
	[tilespmem:s31+$0xFFFFFF30] =	vst v25  }
0x14b: {  	v25 =	vld.idx.msk [tilespmem:v41+s17+$0x0], $0xffff;
	[tilespmem:s31+$0x70] =	vst v21  }
0x14c: {  	[tilespmem:s31+$0xFFFFFF40] =	vst v22;
	v21 =	vld.idx.msk [tilespmem:v26+s17+$0x0], $0xffff  }
0x14d: {  	v22 =	vld.idx.msk [tilespmem:v42+s17+$0x0], $0xffff;
	[tilespmem:s31+$0xFFFFFF50] =	vst v24  }
0x14e: {  	v26 =	vor.u32 $0x300, v3;
	v24 =	vld.idx.msk [tilespmem:v43+s17+$0x0], $0xffff;
	[tilespmem:s31+$0xFFFFFF60] =	vst v27  }
0x14f: {  	[tilespmem:s31+$0xFFFFFF80] =	vst v28;
	v27 =	vld.idx.msk [tilespmem:v44+s17+$0x0], $0xffff  }
0x150: {  	[tilespmem:s31+$0xFFFFFF90] =	vst v23;
	v23 =	vld.idx.msk [tilespmem:v45+s17+$0x0], $0xffff  }
0x151: {  	v28 =	vld.idx.msk [tilespmem:v46+s17+$0x0], $0xffff;
	[tilespmem:s31+$0xFFFFFFA0] =	vst v25  }
0x152: {  	v25 =	vld.idx.msk [tilespmem:v47+s17+$0x0], $0xffff;
	[tilespmem:s31+$0xF0] =	vst v21  }
0x153: {  	[tilespmem:s31+$0xFFFFFFB0] =	vst v22;
	v21 =	vld.idx.msk [tilespmem:v26+s17+$0x0], $0xffff  }
0x154: {  	v22 =	vld.idx.msk [tilespmem:v48+s17+$0x0], $0xffff;
	[tilespmem:s31+$0xFFFFFFC0] =	vst v24  }
0x155: {  	v3 =	vor.u32 $0x380, v3;
	v24 =	vld.idx.msk [tilespmem:v49+s17+$0x0], $0xffff;
	[tilespmem:s31+$0xFFFFFFD0] =	vst v27  }
0x156: {  	v26 =	vld.idx.msk [tilespmem:v50+s17+$0x0], $0xffff;
	[tilespmem:s31+$0xFFFFFFE0] =	vst v23  }
0x157: {  	[tilespmem:s31+$0x0] =	vst v28;
	v23 =	vld.idx.msk [tilespmem:v51+s17+$0x0], $0xffff  }
0x158: {  	[tilespmem:s31+$0x10] =	vst v25;
	v25 =	vld.idx.msk [tilespmem:v53+s17+$0x0], $0xffff  }
0x159: {  	v27 =	vld.idx.msk [tilespmem:v52+s17+$0x0], $0xffff;
	[tilespmem:s31+$0x170] =	vst v21  }
0x15a: {  	[tilespmem:s31+$0x20] =	vst v22;
	v3 =	vld.idx.msk [tilespmem:v3+s17+$0x0], $0xffff  }
0x15b: {  	v18 =	vld.idx.msk [tilespmem:v18+s17+$0x0], $0xffff;
	[tilespmem:s31+$0x30] =	vst v24  }
0x15c: {  	v20 =	vld.idx.msk [tilespmem:v20+s17+$0x0], $0xffff;
	[tilespmem:s31+$0x40] =	vst v26  }
0x15d: {  	v19 =	vld.idx.msk [tilespmem:v19+s17+$0x0], $0xffff;
	[tilespmem:s31+$0x50] =	vst v23  }
0x15e: {  	v21 =	vld.idx.msk [tilespmem:v15+s17+$0x0], $0xffff;
	[tilespmem:s31+$0x60] =	vst v25  }
0x15f: {  	[tilespmem:s31+$0x80] =	vst v27;
	v17 =	vld.idx.msk [tilespmem:v17+s17+$0x0], $0xffff  }
0x160: {  	v15 =	vld.idx.msk [tilespmem:v16+s17+$0x0], $0xffff;
	[tilespmem:s31+$0x1F0] =	vst v3  }
.Ltmp5:
0x161: {  	v14 =	vld.idx.msk [tilespmem:v14+s17+$0x0], $0xffff;
	[tilespmem:s31+$0x90] =	vst v18;
	(pc) =	sbr.rel @p0 .LBB2_13-.Ltmp5, $4  }
0x162: {  	v13 =	vld.idx.msk [tilespmem:v13+s17+$0x0], $0xffff;
	[tilespmem:s31+$0xA0] =	vst v20  }
0x163: {  	v16 =	vld.idx.msk [tilespmem:v10+s17+$0x0], $0xffff;
	[tilespmem:s31+$0xB0] =	vst v19  }
0x164: {  	v3 =	vld.idx.msk [tilespmem:v12+s17+$0x0], $0xffff;
	[tilespmem:s31+$0xC0] =	vst v21  }
0x165: {  	s2 =	sadd.s32 $0x80, s2;
	v10 =	vld.idx.msk [tilespmem:v11+s17+$0x0], $0xffff;
	[tilespmem:s31+$0xD0] =	vst v17  }
0x166: {  	_ =	sdelay $0x2  }
0x167: {  	[tilespmem:s31+$0xE0] =	vst v15  }
0x168: {  	[tilespmem:s31+$0x100] =	vst v14;
	v8 =	vld.idx.msk [tilespmem:v8+s17+$0x0], $0xffff  }
0x169: {  	[tilespmem:s31+$0x110] =	vst v13;
	v9 =	vld.idx.msk [tilespmem:v9+s17+$0x0], $0xffff  }
0x16a: {  	v7 =	vld.idx.msk [tilespmem:v7+s17+$0x0], $0xffff;
	[tilespmem:s31+$0x120] =	vst v16  }
0x16b: {  	v63 =	vld.idx.msk [tilespmem:v6+s17+$0x0], $0xffff;
	[tilespmem:s31+$0x130] =	vst v3  }
0x16c: {  	v5 =	vld.idx.msk [tilespmem:v5+s17+$0x0], $0xffff;
	[tilespmem:s31+$0x140] =	vst v10  }
0x16d: {  	v4 =	vld.idx.msk [tilespmem:v4+s17+$0x0], $0xffff;
	[tilespmem:s31+$0x150] =	vst v8  }
0x16e: {  	v2 =	vld.idx.msk [tilespmem:v2+s17+$0x0], $0xffff;
	[tilespmem:s31+$0x160] =	vst v9  }
0x16f: {  	[tilespmem:s31+$0x180] =	vst v7;
	v1 =	vld.idx.msk [tilespmem:v1+s17+$0x0], $0xffff  }
0x170: {  	[tilespmem:s0+$0x190] =	vst v63;
	v0 =	vld.idx.msk [tilespmem:v0+s17+$0x0], $0xffff  }
0x171: {  	[tilespmem:s0+$0x1A0] =	vst v5  }
0x172: {  	[tilespmem:s0+$0x1B0] =	vst v4  }
0x173: {  	[tilespmem:s0+$0x1C0] =	vst v2  }
0x174: {  	[tilespmem:s0+$0x1D0] =	vst v1  }
0x175: {  	s31 =	sadd.s32 s30, s10;
	[tilespmem:s0+$0x1E0] =	vst v0  }
0x176: {  	[hbm4b:s31+s5] =	stream.linear.scatter [tilespmem:s19], [sflag:$0x6], $0x4000, $0x38;
	[tilespmem:$0x19000] =	vst v63  }
0x177: {  	p0 =	seq.s32 s26, $0x1F;
	_ =	swait.ge [sflag:s20], $0x4000  }
.Ltmp6:
0x178: {  	[sflag:s20] =	ssyncset.done $0x0;
	(pc) =	sbr.rel @p0 .LBB2_20-.Ltmp6, $4  }
0x179: {  	[sflag:s20] =	ssyncadd.s32 $0xFFFFC000  }
0x17a: {  	_ =	swait.ge [sflag:s21], $0x4000  }
0x17b: {  	[sflag:s21] =	ssyncset.done $0x0  }
0x17c: {  	[sflag:s21] =	ssyncadd.s32 $0xFFFFC000  }
0x17d: {  	s0 =	sadd.s32 s13, s29  }
0x17e: {  	s4 =	simm.s32 $0x1000;
	s2 =	sadd.s32 s1, s0  }
0x17f: {  	s29 =	simm.s32 $0x80;
	s30 =	simm.s32 $0x1400;
	s31 =	sadd.s32 $0x0, s2  }
.LBB2_16:
0x180: {  	[tilespmem:s4], [sflag:$0x1] =	stream.linear.gather [hbm4b:s31+s5], $0x200, $0x38;
	[tilespmem:$0x19000] =	vst v63  }
0x181: {  	s31 =	smov.u32 s29;
	s4 =	smov.u32 s30;
	p0 =	sne.s32 s29, $0xF80  }
.Ltmp7:
0x182: {  	s29 =	sadd.s32 $0x80, s29;
	(pc) =	sbr.rel @p0 .LBB2_16-.Ltmp7, $2  }
0x183: {  	_ =	sdelay $0x2  }
0x184: {  	s30 =	sadd.s32 $0x400, s30;
	s31 =	sadd.s32 s31, s2  }
0x185: {  	[tilespmem:s4], [sflag:$0x1] =	stream.linear.gather [hbm4b:s31+s5], $0x200, $0x38;
	[tilespmem:$0x19000] =	vst v63  }
0x186: {  	s0 =	sadd.s32 s0, s7;
	s2 =	simm.s32 $0x1200  }
0x187: {  	s4 =	simm.s32 $0x80;
	s29 =	simm.s32 $0x1600;
	s30 =	sadd.s32 $0x0, s0  }
.LBB2_18:
0x188: {  	[tilespmem:s2], [sflag:$0x2] =	stream.linear.gather [hbm4b:s30+s5], $0x200, $0x38;
	[tilespmem:$0x19000] =	vst v63  }
0x189: {  	s30 =	smov.u32 s4;
	s2 =	smov.u32 s29;
	p0 =	sne.s32 s4, $0xF80  }
.Ltmp8:
0x18a: {  	s4 =	sadd.s32 $0x80, s4;
	(pc) =	sbr.rel @p0 .LBB2_18-.Ltmp8, $2  }
0x18b: {  	_ =	sdelay $0x2  }
0x18c: {  	s29 =	sadd.s32 $0x400, s29;
	s30 =	sadd.s32 s30, s0  }
0x18d: {  	[tilespmem:s2], [sflag:$0x2] =	stream.linear.gather [hbm4b:s30+s5], $0x200, $0x38;
	[tilespmem:$0x19000] =	vst v63  }
.LBB2_20:
0x18e: {  	_ =	swait.ge [sflag:s22], $0x4000  }
0x18f: {  	[sflag:s22] =	ssyncset.done $0x0  }
0x190: {  	s0 =	simm.s32 $0x40;
	[sflag:s22] =	ssyncadd.s32 $0xFFFFC000  }
0x191: {  	v0 =	vld [tilespmem:s0+$0x30];
	_ =	sdelay $0x3  }
0x192: {  	v1 =	vld [tilespmem:s0+$0xFFFFFFD0]  }
0x193: {  	v2 =	vshll.u32 v0, $0x3  }
0x194: {  	v3 =	vld [tilespmem:s0+$0xFFFFFFE0];
	v0 =	vand.u32 $0x7F, v0;
	v2 =	vand.u32 $0xFFFFFC00, v2  }
0x195: {  	v5 =	vld [tilespmem:s0+$0xFFFFFFC0];
	v4 =	vor.u32 v0, v2;
	_ =	sdelay $0x1  }
0x196: {  	v2 =	vld [tilespmem:s0+$0xFFFFFFF0];
	v0 =	vshll.u32 v1, $0x3  }
0x197: {  	v7 =	vld [tilespmem:s0+$0x10];
	v1 =	vand.u32 $0x7F, v1;
	v8 =	vand.u32 $0xFFFFFC00, v0  }
0x198: {  	v6 =	vld [tilespmem:s0+$0x0];
	v0 =	vshll.u32 v3, $0x3;
	v1 =	vor.u32 v1, v8  }
0x199: {  	v11 =	vor.u32 $0x80, v4;
	v9 =	vand.u32 $0xFFFFFC00, v0;
	v0 =	vshll.u32 v5, $0x3;
	v10 =	vld.idx.msk [tilespmem:v4+s23+$0x0], $0xffff  }
0x19a: {  	v12 =	vld [tilespmem:s0+$0x20];
	v3 =	vand.u32 $0x7F, v3;
	v5 =	vand.u32 $0x7F, v5;
	v0 =	vand.u32 $0xFFFFFC00, v0  }
0x19b: {  	v0 =	vor.u32 v5, v0;
	v13 =	vshll.u32 v2, $0x3;
	v8 =	vand.u32 $0x7F, v2  }
0x19c: {  	v2 =	vor.u32 v3, v9;
	v9 =	vshll.u32 v7, $0x3;
	v5 =	vand.u32 $0xFFFFFC00, v13  }
0x19d: {  	s29 =	simm.s32 $0x11200;
	v13 =	vshll.u32 v6, $0x3;
	v3 =	vor.u32 v8, v5;
	v5 =	vand.u32 $0xFFFFFC00, v9;
	v9 =	vld.idx.msk [tilespmem:v1+s23+$0x0], $0xffff  }
0x19e: {  	v15 =	vor.u32 $0x80, v1;
	v6 =	vand.u32 $0x7F, v6;
	v13 =	vand.u32 $0xFFFFFC00, v13;
	[tilespmem:s29+$0xFFFFFE70] =	vst v10  }
0x19f: {  	v7 =	vand.u32 $0x7F, v7;
	v8 =	vshll.u32 v12, $0x3;
	v10 =	vor.u32 v6, v13;
	v6 =	vld.idx.msk [tilespmem:v11+s23+$0x0], $0xffff  }
0x1a0: {  	v11 =	vor.u32 v7, v5;
	v5 =	vld.idx.msk [tilespmem:v0+s23+$0x0], $0xffff;
	v7 =	vand.u32 $0xFFFFFC00, v8;
	v8 =	vand.u32 $0x7F, v12  }
0x1a1: {  	v13 =	vor.u32 $0x100, v4;
	v12 =	vor.u32 v8, v7;
	v7 =	vld.idx.msk [tilespmem:v2+s23+$0x0], $0xffff  }
0x1a2: {  	v8 =	vor.u32 $0x80, v0;
	v14 =	vld.idx.msk [tilespmem:v3+s23+$0x0], $0xffff;
	[tilespmem:s29+$0xFFFFFE10] =	vst v9  }
0x1a3: {  	v15 =	vld.idx.msk [tilespmem:v15+s23+$0x0], $0xffff  }
0x1a4: {  	v17 =	vor.u32 $0x80, v2;
	v16 =	vld.idx.msk [tilespmem:v10+s23+$0x0], $0xffff  }
0x1a5: {  	v18 =	vld.idx.msk [tilespmem:v11+s23+$0x0], $0xffff;
	[tilespmem:s29+$0xFFFFFEF0] =	vst v6;
	v6 =	vor.u32 $0x80, v3  }
0x1a6: {  	[tilespmem:s29+$0xFFFFFE00] =	vst v5;
	v5 =	vld.idx.msk [tilespmem:v13+s23+$0x0], $0xffff;
	v13 =	vor.u32 $0x80, v10  }
0x1a7: {  	v19 =	vor.u32 $0x80, v11;
	v8 =	vld.idx.msk [tilespmem:v8+s23+$0x0], $0xffff;
	[tilespmem:s29+$0xFFFFFE20] =	vst v7  }
0x1a8: {  	v9 =	vld.idx.msk [tilespmem:v12+s23+$0x0], $0xffff;
	v7 =	vor.u32 $0x180, v4;
	[tilespmem:s29+$0xFFFFFE30] =	vst v14  }
0x1a9: {  	v14 =	vor.u32 $0x80, v12;
	v17 =	vld.idx.msk [tilespmem:v17+s23+$0x0], $0xffff;
	[tilespmem:s29+$0xFFFFFE40] =	vst v16  }
0x1aa: {  	v16 =	vor.u32 $0x100, v0;
	v6 =	vld.idx.msk [tilespmem:v6+s23+$0x0], $0xffff;
	[tilespmem:s29+$0xFFFFFE50] =	vst v18  }
0x1ab: {  	v18 =	vor.u32 $0x100, v1;
	v13 =	vld.idx.msk [tilespmem:v13+s23+$0x0], $0xffff;
	[tilespmem:s29+$0xFFFFFF70] =	vst v5  }
0x1ac: {  	v5 =	vor.u32 $0x100, v2;
	[tilespmem:s29+$0xFFFFFE80] =	vst v8;
	v8 =	vld.idx.msk [tilespmem:v19+s23+$0x0], $0xffff  }
0x1ad: {  	[tilespmem:s29+$0xFFFFFE60] =	vst v9;
	v9 =	vor.u32 $0x100, v3;
	v7 =	vld.idx.msk [tilespmem:v7+s23+$0x0], $0xffff  }
0x1ae: {  	[tilespmem:s29+$0xFFFFFE90] =	vst v15;
	v19 =	vor.u32 $0x100, v10;
	v14 =	vld.idx.msk [tilespmem:v14+s23+$0x0], $0xffff  }
0x1af: {  	[tilespmem:s29+$0xFFFFFEA0] =	vst v17;
	v17 =	vor.u32 $0x100, v11;
	v16 =	vld.idx.msk [tilespmem:v16+s23+$0x0], $0xffff  }
0x1b0: {  	v15 =	vor.u32 $0x200, v4;
	v18 =	vld.idx.msk [tilespmem:v18+s23+$0x0], $0xffff;
	[tilespmem:s29+$0xFFFFFEB0] =	vst v6  }
0x1b1: {  	v6 =	vor.u32 $0x100, v12;
	v5 =	vld.idx.msk [tilespmem:v5+s23+$0x0], $0xffff;
	[tilespmem:s29+$0xFFFFFEC0] =	vst v13  }
0x1b2: {  	v13 =	vor.u32 $0x180, v0;
	v9 =	vld.idx.msk [tilespmem:v9+s23+$0x0], $0xffff;
	[tilespmem:s29+$0xFFFFFED0] =	vst v8  }
0x1b3: {  	[tilespmem:s29+$0xFFFFFFF0] =	vst v7;
	v7 =	vor.u32 $0x180, v1;
	v19 =	vld.idx.msk [tilespmem:v19+s23+$0x0], $0xffff  }
0x1b4: {  	[tilespmem:s29+$0xFFFFFEE0] =	vst v14;
	v14 =	vld.idx.msk [tilespmem:v17+s23+$0x0], $0xffff;
	v17 =	vor.u32 $0x180, v3  }
0x1b5: {  	v8 =	vld.idx.msk [tilespmem:v15+s23+$0x0], $0xffff;
	v15 =	vor.u32 $0x180, v2;
	[tilespmem:s29+$0xFFFFFF00] =	vst v16  }
0x1b6: {  	v16 =	vor.u32 $0x280, v4;
	[tilespmem:s29+$0xFFFFFF10] =	vst v18;
	v6 =	vld.idx.msk [tilespmem:v6+s23+$0x0], $0xffff  }
0x1b7: {  	v18 =	vor.u32 $0x180, v10;
	v13 =	vld.idx.msk [tilespmem:v13+s23+$0x0], $0xffff;
	[tilespmem:s29+$0xFFFFFF20] =	vst v5  }
0x1b8: {  	v5 =	vor.u32 $0x180, v11;
	[tilespmem:s29+$0xFFFFFF30] =	vst v9;
	v7 =	vld.idx.msk [tilespmem:v7+s23+$0x0], $0xffff  }
0x1b9: {  	v9 =	vor.u32 $0x180, v12;
	[tilespmem:s29+$0xFFFFFF40] =	vst v19;
	v17 =	vld.idx.msk [tilespmem:v17+s23+$0x0], $0xffff  }
0x1ba: {  	v15 =	vld.idx.msk [tilespmem:v15+s23+$0x0], $0xffff;
	[tilespmem:s29+$0x70] =	vst v8;
	v8 =	vor.u32 $0x200, v0  }
0x1bb: {  	v19 =	vor.u32 $0x200, v1;
	[tilespmem:s29+$0xFFFFFF50] =	vst v14;
	v16 =	vld.idx.msk [tilespmem:v16+s23+$0x0], $0xffff  }
0x1bc: {  	v14 =	vld.idx.msk [tilespmem:v18+s23+$0x0], $0xffff;
	[tilespmem:s29+$0xFFFFFF60] =	vst v6;
	v6 =	vor.u32 $0x300, v4  }
0x1bd: {  	v18 =	vor.u32 $0x200, v2;
	[tilespmem:s29+$0xFFFFFF80] =	vst v13;
	v5 =	vld.idx.msk [tilespmem:v5+s23+$0x0], $0xffff  }
0x1be: {  	v13 =	vor.u32 $0x200, v3;
	[tilespmem:s29+$0xFFFFFF90] =	vst v7;
	v7 =	vld.idx.msk [tilespmem:v9+s23+$0x0], $0xffff  }
0x1bf: {  	v9 =	vor.u32 $0x200, v10;
	v8 =	vld.idx.msk [tilespmem:v8+s23+$0x0], $0xffff;
	[tilespmem:s29+$0xFFFFFFA0] =	vst v15  }
0x1c0: {  	v15 =	vor.u32 $0x200, v11;
	v19 =	vld.idx.msk [tilespmem:v19+s23+$0x0], $0xffff;
	[tilespmem:s29+$0xF0] =	vst v16  }
0x1c1: {  	[tilespmem:s29+$0xFFFFFFB0] =	vst v17;
	v16 =	vor.u32 $0x200, v12;
	v6 =	vld.idx.msk [tilespmem:v6+s23+$0x0], $0xffff  }
0x1c2: {  	v17 =	vor.u32 $0x280, v0;
	v18 =	vld.idx.msk [tilespmem:v18+s23+$0x0], $0xffff;
	[tilespmem:s29+$0xFFFFFFC0] =	vst v14  }
0x1c3: {  	v4 =	vor.u32 $0x380, v4;
	v13 =	vld.idx.msk [tilespmem:v13+s23+$0x0], $0xffff;
	[tilespmem:s29+$0xFFFFFFD0] =	vst v5  }
0x1c4: {  	v5 =	vor.u32 $0x280, v1;
	v9 =	vld.idx.msk [tilespmem:v9+s23+$0x0], $0xffff;
	[tilespmem:s29+$0xFFFFFFE0] =	vst v7  }
0x1c5: {  	v7 =	vor.u32 $0x280, v2;
	[tilespmem:s29+$0x0] =	vst v8;
	v8 =	vld.idx.msk [tilespmem:v15+s23+$0x0], $0xffff  }
0x1c6: {  	v14 =	vor.u32 $0x280, v3;
	[tilespmem:s29+$0x10] =	vst v19;
	v15 =	vld.idx.msk [tilespmem:v16+s23+$0x0], $0xffff  }
0x1c7: {  	v16 =	vor.u32 $0x280, v10;
	v17 =	vld.idx.msk [tilespmem:v17+s23+$0x0], $0xffff;
	[tilespmem:s29+$0x170] =	vst v6  }
0x1c8: {  	v6 =	vor.u32 $0x280, v11;
	[tilespmem:s29+$0x20] =	vst v18;
	v4 =	vld.idx.msk [tilespmem:v4+s23+$0x0], $0xffff  }
0x1c9: {  	v18 =	vor.u32 $0x280, v12;
	v5 =	vld.idx.msk [tilespmem:v5+s23+$0x0], $0xffff;
	[tilespmem:s29+$0x30] =	vst v13  }
0x1ca: {  	v13 =	vor.u32 $0x300, v0;
	v7 =	vld.idx.msk [tilespmem:v7+s23+$0x0], $0xffff;
	[tilespmem:s29+$0x40] =	vst v9  }
0x1cb: {  	v9 =	vor.u32 $0x300, v1;
	v19 =	vld.idx.msk [tilespmem:v14+s23+$0x0], $0xffff;
	[tilespmem:s29+$0x50] =	vst v8  }
0x1cc: {  	v20 =	vor.u32 $0x300, v2;
	v21 =	vld.idx.msk [tilespmem:v16+s23+$0x0], $0xffff;
	[tilespmem:s29+$0x60] =	vst v15  }
0x1cd: {  	v22 =	vor.u32 $0x300, v3;
	[tilespmem:s29+$0x80] =	vst v17;
	v17 =	vld.idx.msk [tilespmem:v6+s23+$0x0], $0xffff  }
0x1ce: {  	v23 =	vor.u32 $0x300, v10;
	v15 =	vld.idx.msk [tilespmem:v18+s23+$0x0], $0xffff;
	[tilespmem:s29+$0x1F0] =	vst v4  }
0x1cf: {  	v14 =	vld.idx.msk [tilespmem:v13+s23+$0x0], $0xffff;
	[tilespmem:s29+$0x90] =	vst v5  }
0x1d0: {  	v13 =	vld.idx.msk [tilespmem:v9+s23+$0x0], $0xffff;
	[tilespmem:s29+$0xA0] =	vst v7  }
0x1d1: {  	v8 =	vor.u32 $0x300, v11;
	v6 =	vor.u32 $0x380, v1;
	v1 =	vor.u32 $0x380, v11;
	[tilespmem:s29+$0xB0] =	vst v19;
	v16 =	vld.idx.msk [tilespmem:v20+s23+$0x0], $0xffff  }
0x1d2: {  	v5 =	vor.u32 $0x380, v2;
	v4 =	vor.u32 $0x380, v3;
	v2 =	vor.u32 $0x380, v10;
	v3 =	vld.idx.msk [tilespmem:v22+s23+$0x0], $0xffff;
	[tilespmem:s29+$0xC0] =	vst v21  }
0x1d3: {  	s2 =	simm.s32 $0xC0;
	s30 =	simm.s32 $0x11200;
	s0 =	simm.s32 $0x0;
	v7 =	vor.u32 $0x380, v0;
	v9 =	vor.u32 $0x300, v12;
	v0 =	vor.u32 $0x380, v12;
	v10 =	vld.idx.msk [tilespmem:v23+s23+$0x0], $0xffff;
	[tilespmem:s29+$0xD0] =	vst v17  }
.LBB2_21:
0x1d4: {  	v11 =	vld [tilespmem:s2+$0x30];
	s0 =	sadd.s32 $0x8, s0;
	[tilespmem:s29+$0xE0] =	vst v15  }
0x1d5: {  	v12 =	vld [tilespmem:s2+$0xFFFFFFD0];
	p0 =	slt.u32 s0, $0x78;
	[tilespmem:s29+$0x100] =	vst v14  }
0x1d6: {  	v14 =	vld [tilespmem:s2+$0xFFFFFFE0];
	[tilespmem:s29+$0x110] =	vst v13  }
0x1d7: {  	v13 =	vld [tilespmem:s2+$0xFFFFFFF0];
	[tilespmem:s29+$0x120] =	vst v16  }
0x1d8: {  	v15 =	vld [tilespmem:s2+$0x0];
	[tilespmem:s29+$0x130] =	vst v3  }
0x1d9: {  	v16 =	vld [tilespmem:s2+$0x10];
	v3 =	vshll.u32 v11, $0x3;
	[tilespmem:s29+$0x140] =	vst v10  }
0x1da: {  	v11 =	vand.u32 $0x7F, v11;
	v10 =	vshll.u32 v12, $0x3;
	v17 =	vld [tilespmem:s2+$0x20];
	v3 =	vand.u32 $0xFFFFFC00, v3  }
0x1db: {  	v18 =	vld [tilespmem:s2+$0xFFFFFFC0];
	v10 =	vand.u32 $0xFFFFFC00, v10;
	v19 =	vshll.u32 v14, $0x3;
	v3 =	vor.u32 v11, v3  }
0x1dc: {  	v11 =	vand.u32 $0x7F, v12;
	v12 =	vand.u32 $0xFFFFFC00, v19;
	v19 =	vshll.u32 v13, $0x3;
	v8 =	vld.idx.msk [tilespmem:v8+s23+$0x0], $0xffff  }
0x1dd: {  	v14 =	vand.u32 $0x7F, v14;
	v19 =	vand.u32 $0xFFFFFC00, v19;
	v20 =	vshll.u32 v15, $0x3;
	v9 =	vld.idx.msk [tilespmem:v9+s23+$0x0], $0xffff  }
0x1de: {  	v13 =	vand.u32 $0x7F, v13;
	v20 =	vand.u32 $0xFFFFFC00, v20;
	v21 =	vshll.u32 v16, $0x3;
	v7 =	vld.idx.msk [tilespmem:v7+s23+$0x0], $0xffff  }
0x1df: {  	v15 =	vand.u32 $0x7F, v15;
	v21 =	vand.u32 $0xFFFFFC00, v21;
	v22 =	vshll.u32 v17, $0x3;
	v6 =	vld.idx.msk [tilespmem:v6+s23+$0x0], $0xffff  }
0x1e0: {  	v23 =	vand.u32 $0x7F, v18;
	v18 =	vshll.u32 v18, $0x3;
	v22 =	vand.u32 $0xFFFFFC00, v22;
	v24 =	vld.idx.msk [tilespmem:v3+s23+$0x0], $0xffff  }
0x1e1: {  	v16 =	vand.u32 $0x7F, v16;
	v17 =	vand.u32 $0x7F, v17;
	v18 =	vand.u32 $0xFFFFFC00, v18;
	v5 =	vld.idx.msk [tilespmem:v5+s23+$0x0], $0xffff  }
0x1e2: {  	v25 =	vor.u32 v11, v10;
	v10 =	vor.u32 $0x80, v3;
	v23 =	vor.u32 v23, v18;
	v4 =	vld.idx.msk [tilespmem:v4+s23+$0x0], $0xffff;
	[tilespmem:s29+$0x150] =	vst v8  }
0x1e3: {  	v26 =	vor.u32 v14, v12;
	v27 =	vor.u32 v13, v19;
	v28 =	vor.u32 v15, v20;
	[tilespmem:s29+$0x160] =	vst v9  }
0x1e4: {  	v21 =	vor.u32 v16, v21;
	v22 =	vor.u32 v17, v22;
	v8 =	vor.u32 $0x80, v23;
	[tilespmem:s29+$0x180] =	vst v7;
	v2 =	vld.idx.msk [tilespmem:v2+s23+$0x0], $0xffff  }
0x1e5: {  	v29 =	vor.u32 $0x80, v27;
	v9 =	vor.u32 $0x80, v26;
	v7 =	vor.u32 $0x80, v25;
	s29 =	sadd.s32 $0x400, s29;
	[tilespmem:s30+$0x190] =	vst v6;
	v1 =	vld.idx.msk [tilespmem:v1+s23+$0x0], $0xffff  }
0x1e6: {  	v30 =	vor.u32 $0x80, v28;
	v31 =	vor.u32 $0x80, v21;
	v32 =	vor.u32 $0x80, v22;
	[tilespmem:s29+$0xFFFFFE70] =	vst v24;
	v0 =	vld.idx.msk [tilespmem:v0+s23+$0x0], $0xffff  }
0x1e7: {  	v33 =	vor.u32 $0x100, v25;
	v34 =	vor.u32 $0x100, v26;
	v24 =	vor.u32 $0x100, v23;
	v6 =	vld.idx.msk [tilespmem:v10+s23+$0x0], $0xffff;
	[tilespmem:s30+$0x1A0] =	vst v5  }
0x1e8: {  	v35 =	vor.u32 $0x100, v27;
	v36 =	vor.u32 $0x100, v28;
	v37 =	vor.u32 $0x100, v21;
	v5 =	vld.idx.msk [tilespmem:v23+s23+$0x0], $0xffff;
	[tilespmem:s30+$0x1B0] =	vst v4  }
0x1e9: {  	v39 =	vor.u32 $0x100, v22;
	v38 =	vor.u32 $0x180, v23;
	v10 =	vor.u32 $0x100, v3;
	v4 =	vld.idx.msk [tilespmem:v25+s23+$0x0], $0xffff  }
0x1ea: {  	v40 =	vor.u32 $0x180, v25;
	v41 =	vor.u32 $0x180, v26;
	v42 =	vor.u32 $0x180, v27;
	v11 =	vld.idx.msk [tilespmem:v26+s23+$0x0], $0xffff;
	[tilespmem:s30+$0x1C0] =	vst v2  }
0x1eb: {  	v43 =	vor.u32 $0x180, v28;
	v44 =	vor.u32 $0x180, v21;
	v45 =	vor.u32 $0x180, v22;
	v2 =	vld.idx.msk [tilespmem:v27+s23+$0x0], $0xffff;
	[tilespmem:s30+$0x1D0] =	vst v1  }
0x1ec: {  	v47 =	vor.u32 $0x200, v25;
	v48 =	vor.u32 $0x200, v26;
	v46 =	vor.u32 $0x200, v23;
	v1 =	vld.idx.msk [tilespmem:v28+s23+$0x0], $0xffff;
	[tilespmem:s30+$0x1E0] =	vst v0;
	s30 =	smov.u32 s29  }
0x1ed: {  	v49 =	vor.u32 $0x200, v27;
	v50 =	vor.u32 $0x200, v28;
	v51 =	vor.u32 $0x200, v21;
	v0 =	vld.idx.msk [tilespmem:v21+s23+$0x0], $0xffff;
	[tilespmem:s29+$0xFFFFFEF0] =	vst v6  }
0x1ee: {  	v18 =	vor.u32 $0x280, v25;
	v53 =	vor.u32 $0x200, v22;
	v52 =	vor.u32 $0x280, v23;
	[tilespmem:s29+$0xFFFFFE00] =	vst v5;
	v54 =	vld.idx.msk [tilespmem:v10+s23+$0x0], $0xffff  }
0x1ef: {  	v20 =	vor.u32 $0x280, v26;
	v19 =	vor.u32 $0x280, v27;
	v15 =	vor.u32 $0x280, v28;
	[tilespmem:s29+$0xFFFFFE10] =	vst v4;
	v55 =	vld.idx.msk [tilespmem:v22+s23+$0x0], $0xffff  }
0x1f0: {  	v57 =	vor.u32 $0x180, v3;
	v17 =	vor.u32 $0x280, v21;
	v16 =	vor.u32 $0x280, v22;
	v56 =	vld.idx.msk [tilespmem:v8+s23+$0x0], $0xffff;
	[tilespmem:s29+$0xFFFFFE20] =	vst v11  }
0x1f1: {  	v13 =	vor.u32 $0x300, v25;
	v14 =	vor.u32 $0x300, v23;
	v10 =	vor.u32 $0x300, v26;
	v58 =	vld.idx.msk [tilespmem:v7+s23+$0x0], $0xffff;
	[tilespmem:s29+$0xFFFFFE30] =	vst v2  }
0x1f2: {  	v12 =	vor.u32 $0x300, v27;
	v11 =	vor.u32 $0x300, v28;
	v8 =	vor.u32 $0x300, v21;
	v59 =	vld.idx.msk [tilespmem:v9+s23+$0x0], $0xffff;
	[tilespmem:s29+$0xFFFFFE40] =	vst v1  }
0x1f3: {  	v6 =	vor.u32 $0x380, v25;
	v7 =	vor.u32 $0x380, v23;
	v9 =	vor.u32 $0x300, v22;
	v23 =	vld.idx.msk [tilespmem:v29+s23+$0x0], $0xffff;
	[tilespmem:s29+$0xFFFFFE50] =	vst v0  }
0x1f4: {  	v5 =	vor.u32 $0x380, v26;
	v4 =	vor.u32 $0x380, v27;
	v2 =	vor.u32 $0x380, v28;
	v25 =	vld.idx.msk [tilespmem:v30+s23+$0x0], $0xffff;
	[tilespmem:s29+$0xFFFFFF70] =	vst v54  }
0x1f5: {  	v1 =	vor.u32 $0x380, v21;
	v0 =	vor.u32 $0x380, v22;
	[tilespmem:s29+$0xFFFFFE60] =	vst v55;
	v21 =	vld.idx.msk [tilespmem:v57+s23+$0x0], $0xffff  }
0x1f6: {  	[tilespmem:s29+$0xFFFFFE80] =	vst v56;
	v22 =	vld.idx.msk [tilespmem:v31+s23+$0x0], $0xffff  }
0x1f7: {  	v27 =	vor.u32 $0x200, v3;
	[tilespmem:s29+$0xFFFFFE90] =	vst v58;
	v26 =	vld.idx.msk [tilespmem:v32+s23+$0x0], $0xffff  }
0x1f8: {  	v24 =	vld.idx.msk [tilespmem:v24+s23+$0x0], $0xffff;
	[tilespmem:s29+$0xFFFFFEA0] =	vst v59  }
0x1f9: {  	v28 =	vld.idx.msk [tilespmem:v33+s23+$0x0], $0xffff;
	[tilespmem:s29+$0xFFFFFEB0] =	vst v23  }
0x1fa: {  	v23 =	vld.idx.msk [tilespmem:v34+s23+$0x0], $0xffff;
	[tilespmem:s29+$0xFFFFFEC0] =	vst v25  }
0x1fb: {  	v25 =	vld.idx.msk [tilespmem:v35+s23+$0x0], $0xffff;
	[tilespmem:s29+$0xFFFFFFF0] =	vst v21  }
0x1fc: {  	[tilespmem:s29+$0xFFFFFED0] =	vst v22;
	v21 =	vld.idx.msk [tilespmem:v27+s23+$0x0], $0xffff  }
0x1fd: {  	v22 =	vld.idx.msk [tilespmem:v36+s23+$0x0], $0xffff;
	[tilespmem:s29+$0xFFFFFEE0] =	vst v26  }
0x1fe: {  	v26 =	vor.u32 $0x280, v3;
	[tilespmem:s29+$0xFFFFFF00] =	vst v24;
	v24 =	vld.idx.msk [tilespmem:v37+s23+$0x0], $0xffff  }
0x1ff: {  	[tilespmem:s29+$0xFFFFFF10] =	vst v28;
	v27 =	vld.idx.msk [tilespmem:v39+s23+$0x0], $0xffff  }
0x200: {  	v28 =	vld.idx.msk [tilespmem:v38+s23+$0x0], $0xffff;
	[tilespmem:s29+$0xFFFFFF20] =	vst v23  }
0x201: {  	v23 =	vld.idx.msk [tilespmem:v40+s23+$0x0], $0xffff;
	[tilespmem:s29+$0xFFFFFF30] =	vst v25  }
0x202: {  	v25 =	vld.idx.msk [tilespmem:v41+s23+$0x0], $0xffff;
	[tilespmem:s29+$0x70] =	vst v21  }
0x203: {  	[tilespmem:s29+$0xFFFFFF40] =	vst v22;
	v21 =	vld.idx.msk [tilespmem:v26+s23+$0x0], $0xffff  }
0x204: {  	v22 =	vld.idx.msk [tilespmem:v42+s23+$0x0], $0xffff;
	[tilespmem:s29+$0xFFFFFF50] =	vst v24  }
0x205: {  	v26 =	vor.u32 $0x300, v3;
	v24 =	vld.idx.msk [tilespmem:v43+s23+$0x0], $0xffff;
	[tilespmem:s29+$0xFFFFFF60] =	vst v27  }
0x206: {  	[tilespmem:s29+$0xFFFFFF80] =	vst v28;
	v27 =	vld.idx.msk [tilespmem:v44+s23+$0x0], $0xffff  }
0x207: {  	[tilespmem:s29+$0xFFFFFF90] =	vst v23;
	v23 =	vld.idx.msk [tilespmem:v45+s23+$0x0], $0xffff  }
0x208: {  	v28 =	vld.idx.msk [tilespmem:v46+s23+$0x0], $0xffff;
	[tilespmem:s29+$0xFFFFFFA0] =	vst v25  }
0x209: {  	v25 =	vld.idx.msk [tilespmem:v47+s23+$0x0], $0xffff;
	[tilespmem:s29+$0xF0] =	vst v21  }
0x20a: {  	[tilespmem:s29+$0xFFFFFFB0] =	vst v22;
	v21 =	vld.idx.msk [tilespmem:v26+s23+$0x0], $0xffff  }
0x20b: {  	v22 =	vld.idx.msk [tilespmem:v48+s23+$0x0], $0xffff;
	[tilespmem:s29+$0xFFFFFFC0] =	vst v24  }
0x20c: {  	v3 =	vor.u32 $0x380, v3;
	v24 =	vld.idx.msk [tilespmem:v49+s23+$0x0], $0xffff;
	[tilespmem:s29+$0xFFFFFFD0] =	vst v27  }
0x20d: {  	v26 =	vld.idx.msk [tilespmem:v50+s23+$0x0], $0xffff;
	[tilespmem:s29+$0xFFFFFFE0] =	vst v23  }
0x20e: {  	[tilespmem:s29+$0x0] =	vst v28;
	v23 =	vld.idx.msk [tilespmem:v51+s23+$0x0], $0xffff  }
0x20f: {  	[tilespmem:s29+$0x10] =	vst v25;
	v25 =	vld.idx.msk [tilespmem:v53+s23+$0x0], $0xffff  }
0x210: {  	v27 =	vld.idx.msk [tilespmem:v52+s23+$0x0], $0xffff;
	[tilespmem:s29+$0x170] =	vst v21  }
0x211: {  	[tilespmem:s29+$0x20] =	vst v22;
	v3 =	vld.idx.msk [tilespmem:v3+s23+$0x0], $0xffff  }
0x212: {  	v18 =	vld.idx.msk [tilespmem:v18+s23+$0x0], $0xffff;
	[tilespmem:s29+$0x30] =	vst v24  }
0x213: {  	v20 =	vld.idx.msk [tilespmem:v20+s23+$0x0], $0xffff;
	[tilespmem:s29+$0x40] =	vst v26  }
0x214: {  	v19 =	vld.idx.msk [tilespmem:v19+s23+$0x0], $0xffff;
	[tilespmem:s29+$0x50] =	vst v23  }
0x215: {  	v21 =	vld.idx.msk [tilespmem:v15+s23+$0x0], $0xffff;
	[tilespmem:s29+$0x60] =	vst v25  }
0x216: {  	[tilespmem:s29+$0x80] =	vst v27;
	v17 =	vld.idx.msk [tilespmem:v17+s23+$0x0], $0xffff  }
0x217: {  	v15 =	vld.idx.msk [tilespmem:v16+s23+$0x0], $0xffff;
	[tilespmem:s29+$0x1F0] =	vst v3  }
.Ltmp9:
0x218: {  	v14 =	vld.idx.msk [tilespmem:v14+s23+$0x0], $0xffff;
	[tilespmem:s29+$0x90] =	vst v18;
	(pc) =	sbr.rel @p0 .LBB2_21-.Ltmp9, $4  }
0x219: {  	v13 =	vld.idx.msk [tilespmem:v13+s23+$0x0], $0xffff;
	[tilespmem:s29+$0xA0] =	vst v20  }
0x21a: {  	v16 =	vld.idx.msk [tilespmem:v10+s23+$0x0], $0xffff;
	[tilespmem:s29+$0xB0] =	vst v19  }
0x21b: {  	v3 =	vld.idx.msk [tilespmem:v12+s23+$0x0], $0xffff;
	[tilespmem:s29+$0xC0] =	vst v21  }
0x21c: {  	s2 =	sadd.s32 $0x80, s2;
	v10 =	vld.idx.msk [tilespmem:v11+s23+$0x0], $0xffff;
	[tilespmem:s29+$0xD0] =	vst v17  }
0x21d: {  	_ =	sdelay $0x2  }
0x21e: {  	[tilespmem:s29+$0xE0] =	vst v15  }
0x21f: {  	[tilespmem:s29+$0x100] =	vst v14;
	v8 =	vld.idx.msk [tilespmem:v8+s23+$0x0], $0xffff  }
0x220: {  	[tilespmem:s29+$0x110] =	vst v13;
	v9 =	vld.idx.msk [tilespmem:v9+s23+$0x0], $0xffff  }
0x221: {  	v7 =	vld.idx.msk [tilespmem:v7+s23+$0x0], $0xffff;
	[tilespmem:s29+$0x120] =	vst v16  }
0x222: {  	[tilespmem:s29+$0x130] =	vst v3;
	v3 =	vld.idx.msk [tilespmem:v6+s23+$0x0], $0xffff  }
0x223: {  	v5 =	vld.idx.msk [tilespmem:v5+s23+$0x0], $0xffff;
	[tilespmem:s29+$0x140] =	vst v10  }
0x224: {  	v4 =	vld.idx.msk [tilespmem:v4+s23+$0x0], $0xffff;
	[tilespmem:s29+$0x150] =	vst v8  }
0x225: {  	v2 =	vld.idx.msk [tilespmem:v2+s23+$0x0], $0xffff;
	[tilespmem:s29+$0x160] =	vst v9  }
0x226: {  	[tilespmem:s29+$0x180] =	vst v7;
	v1 =	vld.idx.msk [tilespmem:v1+s23+$0x0], $0xffff  }
0x227: {  	v0 =	vld.idx.msk [tilespmem:v0+s23+$0x0], $0xffff;
	[tilespmem:s30+$0x190] =	vst v3  }
0x228: {  	[tilespmem:s30+$0x1A0] =	vst v5  }
0x229: {  	[tilespmem:s30+$0x1B0] =	vst v4  }
0x22a: {  	s0 =	sor.u32 s11, s28;
	[tilespmem:s30+$0x1C0] =	vst v2  }
0x22b: {  	s28 =	sshll.u32 s0, $0xC;
	[tilespmem:s30+$0x1D0] =	vst v1  }
0x22c: {  	s0 =	sadd.s32 s3, s28;
	[tilespmem:s30+$0x1E0] =	vst v0  }
0x22d: {  	[hbm4b:s0+s5] =	stream.linear.scatter [tilespmem:s18], [sflag:$0x5], $0x4000, $0x38;
	[tilespmem:$0x19000] =	vst v63  }
0x22e: {  	_ =	swait.ge [sflag:s24], $0x4000  }
0x22f: {  	[sflag:s24] =	ssyncset.done $0x0  }
0x230: {  	s31 =	simm.s32 $0x870;
	[sflag:s24] =	ssyncadd.s32 $0xFFFFC000  }
0x231: {  	v0 =	vld [tilespmem:s31+$0x0];
	_ =	sdelay $0x3  }
0x232: {  	v1 =	vld [tilespmem:s31+$0xFFFFFFA0]  }
0x233: {  	v2 =	vshll.u32 v0, $0x3  }
0x234: {  	v3 =	vld [tilespmem:s31+$0xFFFFFFB0];
	v0 =	vand.u32 $0x7F, v0;
	v2 =	vand.u32 $0xFFFFFC00, v2  }
0x235: {  	v5 =	vld [tilespmem:s31+$0xFFFFFF90];
	v4 =	vor.u32 v0, v2;
	_ =	sdelay $0x1  }
0x236: {  	v2 =	vld [tilespmem:s31+$0xFFFFFFC0];
	v0 =	vshll.u32 v1, $0x3  }
0x237: {  	v7 =	vld [tilespmem:s31+$0xFFFFFFE0];
	v1 =	vand.u32 $0x7F, v1;
	v8 =	vand.u32 $0xFFFFFC00, v0  }
0x238: {  	v6 =	vld [tilespmem:s31+$0xFFFFFFD0];
	v0 =	vshll.u32 v3, $0x3;
	v1 =	vor.u32 v1, v8  }
0x239: {  	v11 =	vor.u32 $0x80, v4;
	v9 =	vand.u32 $0xFFFFFC00, v0;
	v0 =	vshll.u32 v5, $0x3;
	v10 =	vld.idx.msk [tilespmem:v4+s23+$0x0], $0xffff  }
0x23a: {  	v12 =	vld [tilespmem:s31+$0xFFFFFFF0];
	v3 =	vand.u32 $0x7F, v3;
	v5 =	vand.u32 $0x7F, v5;
	v0 =	vand.u32 $0xFFFFFC00, v0  }
0x23b: {  	v0 =	vor.u32 v5, v0;
	v13 =	vshll.u32 v2, $0x3;
	v8 =	vand.u32 $0x7F, v2  }
0x23c: {  	v2 =	vor.u32 v3, v9;
	v9 =	vshll.u32 v7, $0x3;
	v5 =	vand.u32 $0xFFFFFC00, v13  }
0x23d: {  	s29 =	simm.s32 $0x15200;
	v13 =	vshll.u32 v6, $0x3;
	v3 =	vor.u32 v8, v5;
	v5 =	vand.u32 $0xFFFFFC00, v9;
	v9 =	vld.idx.msk [tilespmem:v1+s23+$0x0], $0xffff  }
0x23e: {  	v15 =	vor.u32 $0x80, v1;
	v6 =	vand.u32 $0x7F, v6;
	v13 =	vand.u32 $0xFFFFFC00, v13;
	[tilespmem:s29+$0xFFFFFE70] =	vst v10  }
0x23f: {  	v7 =	vand.u32 $0x7F, v7;
	v8 =	vshll.u32 v12, $0x3;
	v10 =	vor.u32 v6, v13;
	v6 =	vld.idx.msk [tilespmem:v11+s23+$0x0], $0xffff  }
0x240: {  	v11 =	vor.u32 v7, v5;
	v5 =	vld.idx.msk [tilespmem:v0+s23+$0x0], $0xffff;
	v7 =	vand.u32 $0xFFFFFC00, v8;
	v8 =	vand.u32 $0x7F, v12  }
0x241: {  	v13 =	vor.u32 $0x100, v4;
	v12 =	vor.u32 v8, v7;
	v7 =	vld.idx.msk [tilespmem:v2+s23+$0x0], $0xffff  }
0x242: {  	v8 =	vor.u32 $0x80, v0;
	v14 =	vld.idx.msk [tilespmem:v3+s23+$0x0], $0xffff;
	[tilespmem:s29+$0xFFFFFE10] =	vst v9  }
0x243: {  	v15 =	vld.idx.msk [tilespmem:v15+s23+$0x0], $0xffff  }
0x244: {  	v17 =	vor.u32 $0x80, v2;
	v16 =	vld.idx.msk [tilespmem:v10+s23+$0x0], $0xffff  }
0x245: {  	v18 =	vld.idx.msk [tilespmem:v11+s23+$0x0], $0xffff;
	[tilespmem:s29+$0xFFFFFEF0] =	vst v6;
	v6 =	vor.u32 $0x80, v3  }
0x246: {  	[tilespmem:s29+$0xFFFFFE00] =	vst v5;
	v5 =	vld.idx.msk [tilespmem:v13+s23+$0x0], $0xffff;
	v13 =	vor.u32 $0x80, v10  }
0x247: {  	v19 =	vor.u32 $0x80, v11;
	v8 =	vld.idx.msk [tilespmem:v8+s23+$0x0], $0xffff;
	[tilespmem:s29+$0xFFFFFE20] =	vst v7  }
0x248: {  	v9 =	vld.idx.msk [tilespmem:v12+s23+$0x0], $0xffff;
	v7 =	vor.u32 $0x180, v4;
	[tilespmem:s29+$0xFFFFFE30] =	vst v14  }
0x249: {  	v14 =	vor.u32 $0x80, v12;
	v17 =	vld.idx.msk [tilespmem:v17+s23+$0x0], $0xffff;
	[tilespmem:s29+$0xFFFFFE40] =	vst v16  }
0x24a: {  	v16 =	vor.u32 $0x100, v0;
	v6 =	vld.idx.msk [tilespmem:v6+s23+$0x0], $0xffff;
	[tilespmem:s29+$0xFFFFFE50] =	vst v18  }
0x24b: {  	v18 =	vor.u32 $0x100, v1;
	v13 =	vld.idx.msk [tilespmem:v13+s23+$0x0], $0xffff;
	[tilespmem:s29+$0xFFFFFF70] =	vst v5  }
0x24c: {  	v5 =	vor.u32 $0x100, v2;
	[tilespmem:s29+$0xFFFFFE80] =	vst v8;
	v8 =	vld.idx.msk [tilespmem:v19+s23+$0x0], $0xffff  }
0x24d: {  	[tilespmem:s29+$0xFFFFFE60] =	vst v9;
	v9 =	vor.u32 $0x100, v3;
	v7 =	vld.idx.msk [tilespmem:v7+s23+$0x0], $0xffff  }
0x24e: {  	[tilespmem:s29+$0xFFFFFE90] =	vst v15;
	v19 =	vor.u32 $0x100, v10;
	v14 =	vld.idx.msk [tilespmem:v14+s23+$0x0], $0xffff  }
0x24f: {  	[tilespmem:s29+$0xFFFFFEA0] =	vst v17;
	v17 =	vor.u32 $0x100, v11;
	v16 =	vld.idx.msk [tilespmem:v16+s23+$0x0], $0xffff  }
0x250: {  	v15 =	vor.u32 $0x200, v4;
	v18 =	vld.idx.msk [tilespmem:v18+s23+$0x0], $0xffff;
	[tilespmem:s29+$0xFFFFFEB0] =	vst v6  }
0x251: {  	v6 =	vor.u32 $0x100, v12;
	v5 =	vld.idx.msk [tilespmem:v5+s23+$0x0], $0xffff;
	[tilespmem:s29+$0xFFFFFEC0] =	vst v13  }
0x252: {  	v13 =	vor.u32 $0x180, v0;
	v9 =	vld.idx.msk [tilespmem:v9+s23+$0x0], $0xffff;
	[tilespmem:s29+$0xFFFFFED0] =	vst v8  }
0x253: {  	[tilespmem:s29+$0xFFFFFFF0] =	vst v7;
	v7 =	vor.u32 $0x180, v1;
	v19 =	vld.idx.msk [tilespmem:v19+s23+$0x0], $0xffff  }
0x254: {  	[tilespmem:s29+$0xFFFFFEE0] =	vst v14;
	v14 =	vld.idx.msk [tilespmem:v17+s23+$0x0], $0xffff;
	v17 =	vor.u32 $0x180, v3  }
0x255: {  	v8 =	vld.idx.msk [tilespmem:v15+s23+$0x0], $0xffff;
	v15 =	vor.u32 $0x180, v2;
	[tilespmem:s29+$0xFFFFFF00] =	vst v16  }
0x256: {  	v16 =	vor.u32 $0x280, v4;
	[tilespmem:s29+$0xFFFFFF10] =	vst v18;
	v6 =	vld.idx.msk [tilespmem:v6+s23+$0x0], $0xffff  }
0x257: {  	v18 =	vor.u32 $0x180, v10;
	v13 =	vld.idx.msk [tilespmem:v13+s23+$0x0], $0xffff;
	[tilespmem:s29+$0xFFFFFF20] =	vst v5  }
0x258: {  	v5 =	vor.u32 $0x180, v11;
	[tilespmem:s29+$0xFFFFFF30] =	vst v9;
	v7 =	vld.idx.msk [tilespmem:v7+s23+$0x0], $0xffff  }
0x259: {  	v9 =	vor.u32 $0x180, v12;
	[tilespmem:s29+$0xFFFFFF40] =	vst v19;
	v17 =	vld.idx.msk [tilespmem:v17+s23+$0x0], $0xffff  }
0x25a: {  	v15 =	vld.idx.msk [tilespmem:v15+s23+$0x0], $0xffff;
	[tilespmem:s29+$0x70] =	vst v8;
	v8 =	vor.u32 $0x200, v0  }
0x25b: {  	v19 =	vor.u32 $0x200, v1;
	[tilespmem:s29+$0xFFFFFF50] =	vst v14;
	v16 =	vld.idx.msk [tilespmem:v16+s23+$0x0], $0xffff  }
0x25c: {  	v14 =	vld.idx.msk [tilespmem:v18+s23+$0x0], $0xffff;
	[tilespmem:s29+$0xFFFFFF60] =	vst v6;
	v6 =	vor.u32 $0x300, v4  }
0x25d: {  	v18 =	vor.u32 $0x200, v2;
	[tilespmem:s29+$0xFFFFFF80] =	vst v13;
	v5 =	vld.idx.msk [tilespmem:v5+s23+$0x0], $0xffff  }
0x25e: {  	v13 =	vor.u32 $0x200, v3;
	[tilespmem:s29+$0xFFFFFF90] =	vst v7;
	v7 =	vld.idx.msk [tilespmem:v9+s23+$0x0], $0xffff  }
0x25f: {  	v9 =	vor.u32 $0x200, v10;
	v8 =	vld.idx.msk [tilespmem:v8+s23+$0x0], $0xffff;
	[tilespmem:s29+$0xFFFFFFA0] =	vst v15  }
0x260: {  	v15 =	vor.u32 $0x200, v11;
	v19 =	vld.idx.msk [tilespmem:v19+s23+$0x0], $0xffff;
	[tilespmem:s29+$0xF0] =	vst v16  }
0x261: {  	[tilespmem:s29+$0xFFFFFFB0] =	vst v17;
	v16 =	vor.u32 $0x200, v12;
	v6 =	vld.idx.msk [tilespmem:v6+s23+$0x0], $0xffff  }
0x262: {  	v17 =	vor.u32 $0x280, v0;
	v18 =	vld.idx.msk [tilespmem:v18+s23+$0x0], $0xffff;
	[tilespmem:s29+$0xFFFFFFC0] =	vst v14  }
0x263: {  	v4 =	vor.u32 $0x380, v4;
	v13 =	vld.idx.msk [tilespmem:v13+s23+$0x0], $0xffff;
	[tilespmem:s29+$0xFFFFFFD0] =	vst v5  }
0x264: {  	v5 =	vor.u32 $0x280, v1;
	v9 =	vld.idx.msk [tilespmem:v9+s23+$0x0], $0xffff;
	[tilespmem:s29+$0xFFFFFFE0] =	vst v7  }
0x265: {  	v7 =	vor.u32 $0x280, v2;
	[tilespmem:s29+$0x0] =	vst v8;
	v8 =	vld.idx.msk [tilespmem:v15+s23+$0x0], $0xffff  }
0x266: {  	v14 =	vor.u32 $0x280, v3;
	[tilespmem:s29+$0x10] =	vst v19;
	v15 =	vld.idx.msk [tilespmem:v16+s23+$0x0], $0xffff  }
0x267: {  	v16 =	vor.u32 $0x280, v10;
	v17 =	vld.idx.msk [tilespmem:v17+s23+$0x0], $0xffff;
	[tilespmem:s29+$0x170] =	vst v6  }
0x268: {  	v6 =	vor.u32 $0x280, v11;
	[tilespmem:s29+$0x20] =	vst v18;
	v4 =	vld.idx.msk [tilespmem:v4+s23+$0x0], $0xffff  }
0x269: {  	v18 =	vor.u32 $0x280, v12;
	v5 =	vld.idx.msk [tilespmem:v5+s23+$0x0], $0xffff;
	[tilespmem:s29+$0x30] =	vst v13  }
0x26a: {  	v13 =	vor.u32 $0x300, v0;
	v7 =	vld.idx.msk [tilespmem:v7+s23+$0x0], $0xffff;
	[tilespmem:s29+$0x40] =	vst v9  }
0x26b: {  	v9 =	vor.u32 $0x300, v1;
	v19 =	vld.idx.msk [tilespmem:v14+s23+$0x0], $0xffff;
	[tilespmem:s29+$0x50] =	vst v8  }
0x26c: {  	v20 =	vor.u32 $0x300, v2;
	v21 =	vld.idx.msk [tilespmem:v16+s23+$0x0], $0xffff;
	[tilespmem:s29+$0x60] =	vst v15  }
0x26d: {  	v22 =	vor.u32 $0x300, v3;
	[tilespmem:s29+$0x80] =	vst v17;
	v17 =	vld.idx.msk [tilespmem:v6+s23+$0x0], $0xffff  }
0x26e: {  	v23 =	vor.u32 $0x300, v10;
	v15 =	vld.idx.msk [tilespmem:v18+s23+$0x0], $0xffff;
	[tilespmem:s29+$0x1F0] =	vst v4  }
0x26f: {  	v14 =	vld.idx.msk [tilespmem:v13+s23+$0x0], $0xffff;
	[tilespmem:s29+$0x90] =	vst v5  }
0x270: {  	v13 =	vld.idx.msk [tilespmem:v9+s23+$0x0], $0xffff;
	[tilespmem:s29+$0xA0] =	vst v7  }
0x271: {  	v8 =	vor.u32 $0x300, v11;
	v6 =	vor.u32 $0x380, v1;
	v1 =	vor.u32 $0x380, v11;
	[tilespmem:s29+$0xB0] =	vst v19;
	v16 =	vld.idx.msk [tilespmem:v20+s23+$0x0], $0xffff  }
0x272: {  	v5 =	vor.u32 $0x380, v2;
	v4 =	vor.u32 $0x380, v3;
	v2 =	vor.u32 $0x380, v10;
	v3 =	vld.idx.msk [tilespmem:v22+s23+$0x0], $0xffff;
	[tilespmem:s29+$0xC0] =	vst v21  }
0x273: {  	s4 =	simm.s32 $0x0;
	s2 =	simm.s32 $0x8F0;
	s0 =	simm.s32 $0x15200;
	v7 =	vor.u32 $0x380, v0;
	v9 =	vor.u32 $0x300, v12;
	v0 =	vor.u32 $0x380, v12;
	v10 =	vld.idx.msk [tilespmem:v23+s23+$0x0], $0xffff;
	[tilespmem:s29+$0xD0] =	vst v17  }
.LBB2_23:
0x274: {  	v11 =	vld [tilespmem:s2+$0x0];
	s4 =	sadd.s32 $0x8, s4;
	[tilespmem:s29+$0xE0] =	vst v15  }
0x275: {  	v12 =	vld [tilespmem:s2+$0xFFFFFFA0];
	p0 =	slt.u32 s4, $0x78;
	[tilespmem:s29+$0x100] =	vst v14  }
0x276: {  	v14 =	vld [tilespmem:s2+$0xFFFFFFB0];
	[tilespmem:s29+$0x110] =	vst v13  }
0x277: {  	v13 =	vld [tilespmem:s2+$0xFFFFFFC0];
	[tilespmem:s29+$0x120] =	vst v16  }
0x278: {  	v15 =	vld [tilespmem:s2+$0xFFFFFFD0];
	[tilespmem:s29+$0x130] =	vst v3  }
0x279: {  	v16 =	vld [tilespmem:s2+$0xFFFFFFE0];
	v3 =	vshll.u32 v11, $0x3;
	[tilespmem:s29+$0x140] =	vst v10  }
0x27a: {  	v11 =	vand.u32 $0x7F, v11;
	v10 =	vshll.u32 v12, $0x3;
	v17 =	vld [tilespmem:s2+$0xFFFFFFF0];
	v3 =	vand.u32 $0xFFFFFC00, v3  }
0x27b: {  	v18 =	vld [tilespmem:s2+$0xFFFFFF90];
	v10 =	vand.u32 $0xFFFFFC00, v10;
	v19 =	vshll.u32 v14, $0x3;
	v3 =	vor.u32 v11, v3  }
0x27c: {  	v11 =	vand.u32 $0x7F, v12;
	v12 =	vand.u32 $0xFFFFFC00, v19;
	v19 =	vshll.u32 v13, $0x3;
	v8 =	vld.idx.msk [tilespmem:v8+s23+$0x0], $0xffff  }
0x27d: {  	v14 =	vand.u32 $0x7F, v14;
	v19 =	vand.u32 $0xFFFFFC00, v19;
	v20 =	vshll.u32 v15, $0x3;
	v9 =	vld.idx.msk [tilespmem:v9+s23+$0x0], $0xffff  }
0x27e: {  	v13 =	vand.u32 $0x7F, v13;
	v20 =	vand.u32 $0xFFFFFC00, v20;
	v21 =	vshll.u32 v16, $0x3;
	v7 =	vld.idx.msk [tilespmem:v7+s23+$0x0], $0xffff  }
0x27f: {  	v15 =	vand.u32 $0x7F, v15;
	v21 =	vand.u32 $0xFFFFFC00, v21;
	v22 =	vshll.u32 v17, $0x3;
	v6 =	vld.idx.msk [tilespmem:v6+s23+$0x0], $0xffff  }
0x280: {  	v23 =	vand.u32 $0x7F, v18;
	v18 =	vshll.u32 v18, $0x3;
	v22 =	vand.u32 $0xFFFFFC00, v22;
	v24 =	vld.idx.msk [tilespmem:v3+s23+$0x0], $0xffff  }
0x281: {  	v16 =	vand.u32 $0x7F, v16;
	v17 =	vand.u32 $0x7F, v17;
	v18 =	vand.u32 $0xFFFFFC00, v18;
	v5 =	vld.idx.msk [tilespmem:v5+s23+$0x0], $0xffff  }
0x282: {  	v25 =	vor.u32 v11, v10;
	v10 =	vor.u32 $0x80, v3;
	v23 =	vor.u32 v23, v18;
	v4 =	vld.idx.msk [tilespmem:v4+s23+$0x0], $0xffff;
	[tilespmem:s29+$0x150] =	vst v8  }
0x283: {  	v26 =	vor.u32 v14, v12;
	v27 =	vor.u32 v13, v19;
	v28 =	vor.u32 v15, v20;
	[tilespmem:s29+$0x160] =	vst v9  }
0x284: {  	v21 =	vor.u32 v16, v21;
	v22 =	vor.u32 v17, v22;
	v8 =	vor.u32 $0x80, v23;
	[tilespmem:s29+$0x180] =	vst v7;
	v2 =	vld.idx.msk [tilespmem:v2+s23+$0x0], $0xffff  }
0x285: {  	v29 =	vor.u32 $0x80, v27;
	v9 =	vor.u32 $0x80, v26;
	v7 =	vor.u32 $0x80, v25;
	s29 =	sadd.s32 $0x400, s29;
	[tilespmem:s0+$0x190] =	vst v6;
	v1 =	vld.idx.msk [tilespmem:v1+s23+$0x0], $0xffff  }
0x286: {  	v30 =	vor.u32 $0x80, v28;
	v31 =	vor.u32 $0x80, v21;
	v32 =	vor.u32 $0x80, v22;
	[tilespmem:s29+$0xFFFFFE70] =	vst v24;
	v0 =	vld.idx.msk [tilespmem:v0+s23+$0x0], $0xffff  }
0x287: {  	v33 =	vor.u32 $0x100, v25;
	v34 =	vor.u32 $0x100, v26;
	v24 =	vor.u32 $0x100, v23;
	v6 =	vld.idx.msk [tilespmem:v10+s23+$0x0], $0xffff;
	[tilespmem:s0+$0x1A0] =	vst v5  }
0x288: {  	v35 =	vor.u32 $0x100, v27;
	v36 =	vor.u32 $0x100, v28;
	v37 =	vor.u32 $0x100, v21;
	v5 =	vld.idx.msk [tilespmem:v23+s23+$0x0], $0xffff;
	[tilespmem:s0+$0x1B0] =	vst v4  }
0x289: {  	v39 =	vor.u32 $0x100, v22;
	v38 =	vor.u32 $0x180, v23;
	v10 =	vor.u32 $0x100, v3;
	v4 =	vld.idx.msk [tilespmem:v25+s23+$0x0], $0xffff  }
0x28a: {  	v40 =	vor.u32 $0x180, v25;
	v41 =	vor.u32 $0x180, v26;
	v42 =	vor.u32 $0x180, v27;
	v11 =	vld.idx.msk [tilespmem:v26+s23+$0x0], $0xffff;
	[tilespmem:s0+$0x1C0] =	vst v2  }
0x28b: {  	v43 =	vor.u32 $0x180, v28;
	v44 =	vor.u32 $0x180, v21;
	v45 =	vor.u32 $0x180, v22;
	v2 =	vld.idx.msk [tilespmem:v27+s23+$0x0], $0xffff;
	[tilespmem:s0+$0x1D0] =	vst v1  }
0x28c: {  	v47 =	vor.u32 $0x200, v25;
	v48 =	vor.u32 $0x200, v26;
	v46 =	vor.u32 $0x200, v23;
	v1 =	vld.idx.msk [tilespmem:v28+s23+$0x0], $0xffff;
	[tilespmem:s0+$0x1E0] =	vst v0;
	s0 =	smov.u32 s29  }
0x28d: {  	v49 =	vor.u32 $0x200, v27;
	v50 =	vor.u32 $0x200, v28;
	v51 =	vor.u32 $0x200, v21;
	v0 =	vld.idx.msk [tilespmem:v21+s23+$0x0], $0xffff;
	[tilespmem:s29+$0xFFFFFEF0] =	vst v6  }
0x28e: {  	v18 =	vor.u32 $0x280, v25;
	v53 =	vor.u32 $0x200, v22;
	v52 =	vor.u32 $0x280, v23;
	[tilespmem:s29+$0xFFFFFE00] =	vst v5;
	v54 =	vld.idx.msk [tilespmem:v10+s23+$0x0], $0xffff  }
0x28f: {  	v20 =	vor.u32 $0x280, v26;
	v19 =	vor.u32 $0x280, v27;
	v15 =	vor.u32 $0x280, v28;
	[tilespmem:s29+$0xFFFFFE10] =	vst v4;
	v55 =	vld.idx.msk [tilespmem:v22+s23+$0x0], $0xffff  }
0x290: {  	v57 =	vor.u32 $0x180, v3;
	v17 =	vor.u32 $0x280, v21;
	v16 =	vor.u32 $0x280, v22;
	v56 =	vld.idx.msk [tilespmem:v8+s23+$0x0], $0xffff;
	[tilespmem:s29+$0xFFFFFE20] =	vst v11  }
0x291: {  	v13 =	vor.u32 $0x300, v25;
	v14 =	vor.u32 $0x300, v23;
	v10 =	vor.u32 $0x300, v26;
	v58 =	vld.idx.msk [tilespmem:v7+s23+$0x0], $0xffff;
	[tilespmem:s29+$0xFFFFFE30] =	vst v2  }
0x292: {  	v12 =	vor.u32 $0x300, v27;
	v11 =	vor.u32 $0x300, v28;
	v8 =	vor.u32 $0x300, v21;
	v59 =	vld.idx.msk [tilespmem:v9+s23+$0x0], $0xffff;
	[tilespmem:s29+$0xFFFFFE40] =	vst v1  }
0x293: {  	v6 =	vor.u32 $0x380, v25;
	v7 =	vor.u32 $0x380, v23;
	v9 =	vor.u32 $0x300, v22;
	v23 =	vld.idx.msk [tilespmem:v29+s23+$0x0], $0xffff;
	[tilespmem:s29+$0xFFFFFE50] =	vst v0  }
0x294: {  	v5 =	vor.u32 $0x380, v26;
	v4 =	vor.u32 $0x380, v27;
	v2 =	vor.u32 $0x380, v28;
	v25 =	vld.idx.msk [tilespmem:v30+s23+$0x0], $0xffff;
	[tilespmem:s29+$0xFFFFFF70] =	vst v54  }
0x295: {  	v1 =	vor.u32 $0x380, v21;
	v0 =	vor.u32 $0x380, v22;
	[tilespmem:s29+$0xFFFFFE60] =	vst v55;
	v21 =	vld.idx.msk [tilespmem:v57+s23+$0x0], $0xffff  }
0x296: {  	[tilespmem:s29+$0xFFFFFE80] =	vst v56;
	v22 =	vld.idx.msk [tilespmem:v31+s23+$0x0], $0xffff  }
0x297: {  	v27 =	vor.u32 $0x200, v3;
	[tilespmem:s29+$0xFFFFFE90] =	vst v58;
	v26 =	vld.idx.msk [tilespmem:v32+s23+$0x0], $0xffff  }
0x298: {  	v24 =	vld.idx.msk [tilespmem:v24+s23+$0x0], $0xffff;
	[tilespmem:s29+$0xFFFFFEA0] =	vst v59  }
0x299: {  	v28 =	vld.idx.msk [tilespmem:v33+s23+$0x0], $0xffff;
	[tilespmem:s29+$0xFFFFFEB0] =	vst v23  }
0x29a: {  	v23 =	vld.idx.msk [tilespmem:v34+s23+$0x0], $0xffff;
	[tilespmem:s29+$0xFFFFFEC0] =	vst v25  }
0x29b: {  	v25 =	vld.idx.msk [tilespmem:v35+s23+$0x0], $0xffff;
	[tilespmem:s29+$0xFFFFFFF0] =	vst v21  }
0x29c: {  	[tilespmem:s29+$0xFFFFFED0] =	vst v22;
	v21 =	vld.idx.msk [tilespmem:v27+s23+$0x0], $0xffff  }
0x29d: {  	v22 =	vld.idx.msk [tilespmem:v36+s23+$0x0], $0xffff;
	[tilespmem:s29+$0xFFFFFEE0] =	vst v26  }
0x29e: {  	v26 =	vor.u32 $0x280, v3;
	[tilespmem:s29+$0xFFFFFF00] =	vst v24;
	v24 =	vld.idx.msk [tilespmem:v37+s23+$0x0], $0xffff  }
0x29f: {  	[tilespmem:s29+$0xFFFFFF10] =	vst v28;
	v27 =	vld.idx.msk [tilespmem:v39+s23+$0x0], $0xffff  }
0x2a0: {  	v28 =	vld.idx.msk [tilespmem:v38+s23+$0x0], $0xffff;
	[tilespmem:s29+$0xFFFFFF20] =	vst v23  }
0x2a1: {  	v23 =	vld.idx.msk [tilespmem:v40+s23+$0x0], $0xffff;
	[tilespmem:s29+$0xFFFFFF30] =	vst v25  }
0x2a2: {  	v25 =	vld.idx.msk [tilespmem:v41+s23+$0x0], $0xffff;
	[tilespmem:s29+$0x70] =	vst v21  }
0x2a3: {  	[tilespmem:s29+$0xFFFFFF40] =	vst v22;
	v21 =	vld.idx.msk [tilespmem:v26+s23+$0x0], $0xffff  }
0x2a4: {  	v22 =	vld.idx.msk [tilespmem:v42+s23+$0x0], $0xffff;
	[tilespmem:s29+$0xFFFFFF50] =	vst v24  }
0x2a5: {  	v26 =	vor.u32 $0x300, v3;
	v24 =	vld.idx.msk [tilespmem:v43+s23+$0x0], $0xffff;
	[tilespmem:s29+$0xFFFFFF60] =	vst v27  }
0x2a6: {  	[tilespmem:s29+$0xFFFFFF80] =	vst v28;
	v27 =	vld.idx.msk [tilespmem:v44+s23+$0x0], $0xffff  }
0x2a7: {  	[tilespmem:s29+$0xFFFFFF90] =	vst v23;
	v23 =	vld.idx.msk [tilespmem:v45+s23+$0x0], $0xffff  }
0x2a8: {  	v28 =	vld.idx.msk [tilespmem:v46+s23+$0x0], $0xffff;
	[tilespmem:s29+$0xFFFFFFA0] =	vst v25  }
0x2a9: {  	v25 =	vld.idx.msk [tilespmem:v47+s23+$0x0], $0xffff;
	[tilespmem:s29+$0xF0] =	vst v21  }
0x2aa: {  	[tilespmem:s29+$0xFFFFFFB0] =	vst v22;
	v21 =	vld.idx.msk [tilespmem:v26+s23+$0x0], $0xffff  }
0x2ab: {  	v22 =	vld.idx.msk [tilespmem:v48+s23+$0x0], $0xffff;
	[tilespmem:s29+$0xFFFFFFC0] =	vst v24  }
0x2ac: {  	v3 =	vor.u32 $0x380, v3;
	v24 =	vld.idx.msk [tilespmem:v49+s23+$0x0], $0xffff;
	[tilespmem:s29+$0xFFFFFFD0] =	vst v27  }
0x2ad: {  	v26 =	vld.idx.msk [tilespmem:v50+s23+$0x0], $0xffff;
	[tilespmem:s29+$0xFFFFFFE0] =	vst v23  }
0x2ae: {  	[tilespmem:s29+$0x0] =	vst v28;
	v23 =	vld.idx.msk [tilespmem:v51+s23+$0x0], $0xffff  }
0x2af: {  	[tilespmem:s29+$0x10] =	vst v25;
	v25 =	vld.idx.msk [tilespmem:v53+s23+$0x0], $0xffff  }
0x2b0: {  	v27 =	vld.idx.msk [tilespmem:v52+s23+$0x0], $0xffff;
	[tilespmem:s29+$0x170] =	vst v21  }
0x2b1: {  	[tilespmem:s29+$0x20] =	vst v22;
	v3 =	vld.idx.msk [tilespmem:v3+s23+$0x0], $0xffff  }
0x2b2: {  	v18 =	vld.idx.msk [tilespmem:v18+s23+$0x0], $0xffff;
	[tilespmem:s29+$0x30] =	vst v24  }
0x2b3: {  	v20 =	vld.idx.msk [tilespmem:v20+s23+$0x0], $0xffff;
	[tilespmem:s29+$0x40] =	vst v26  }
0x2b4: {  	v19 =	vld.idx.msk [tilespmem:v19+s23+$0x0], $0xffff;
	[tilespmem:s29+$0x50] =	vst v23  }
0x2b5: {  	v21 =	vld.idx.msk [tilespmem:v15+s23+$0x0], $0xffff;
	[tilespmem:s29+$0x60] =	vst v25  }
0x2b6: {  	[tilespmem:s29+$0x80] =	vst v27;
	v17 =	vld.idx.msk [tilespmem:v17+s23+$0x0], $0xffff  }
0x2b7: {  	v15 =	vld.idx.msk [tilespmem:v16+s23+$0x0], $0xffff;
	[tilespmem:s29+$0x1F0] =	vst v3  }
.Ltmp10:
0x2b8: {  	v14 =	vld.idx.msk [tilespmem:v14+s23+$0x0], $0xffff;
	[tilespmem:s29+$0x90] =	vst v18;
	(pc) =	sbr.rel @p0 .LBB2_23-.Ltmp10, $4  }
0x2b9: {  	v13 =	vld.idx.msk [tilespmem:v13+s23+$0x0], $0xffff;
	[tilespmem:s29+$0xA0] =	vst v20  }
0x2ba: {  	v16 =	vld.idx.msk [tilespmem:v10+s23+$0x0], $0xffff;
	[tilespmem:s29+$0xB0] =	vst v19  }
0x2bb: {  	v3 =	vld.idx.msk [tilespmem:v12+s23+$0x0], $0xffff;
	[tilespmem:s29+$0xC0] =	vst v21  }
0x2bc: {  	s2 =	sadd.s32 $0x80, s2;
	v10 =	vld.idx.msk [tilespmem:v11+s23+$0x0], $0xffff;
	[tilespmem:s29+$0xD0] =	vst v17  }
0x2bd: {  	_ =	sdelay $0x2  }
0x2be: {  	[tilespmem:s29+$0xE0] =	vst v15  }
0x2bf: {  	[tilespmem:s29+$0x100] =	vst v14;
	v8 =	vld.idx.msk [tilespmem:v8+s23+$0x0], $0xffff  }
0x2c0: {  	[tilespmem:s29+$0x110] =	vst v13;
	v9 =	vld.idx.msk [tilespmem:v9+s23+$0x0], $0xffff  }
0x2c1: {  	v7 =	vld.idx.msk [tilespmem:v7+s23+$0x0], $0xffff;
	[tilespmem:s29+$0x120] =	vst v16  }
0x2c2: {  	v63 =	vld.idx.msk [tilespmem:v6+s23+$0x0], $0xffff;
	[tilespmem:s29+$0x130] =	vst v3  }
0x2c3: {  	v5 =	vld.idx.msk [tilespmem:v5+s23+$0x0], $0xffff;
	[tilespmem:s29+$0x140] =	vst v10  }
0x2c4: {  	v4 =	vld.idx.msk [tilespmem:v4+s23+$0x0], $0xffff;
	[tilespmem:s29+$0x150] =	vst v8  }
0x2c5: {  	v2 =	vld.idx.msk [tilespmem:v2+s23+$0x0], $0xffff;
	[tilespmem:s29+$0x160] =	vst v9  }
0x2c6: {  	[tilespmem:s29+$0x180] =	vst v7;
	v1 =	vld.idx.msk [tilespmem:v1+s23+$0x0], $0xffff  }
0x2c7: {  	s26 =	sadd.s32 $0x1, s26;
	[tilespmem:s0+$0x190] =	vst v63;
	v0 =	vld.idx.msk [tilespmem:v0+s23+$0x0], $0xffff  }
0x2c8: {  	p0 =	sne.s32 s26, $0x20;
	[tilespmem:s0+$0x1A0] =	vst v5  }
.Ltmp11:
0x2c9: {  	[tilespmem:s0+$0x1B0] =	vst v4;
	(pc) =	sbr.rel @p0 .LBB2_6-.Ltmp11, $4  }
0x2ca: {  	[tilespmem:s0+$0x1C0] =	vst v2  }
0x2cb: {  	[tilespmem:s0+$0x1D0] =	vst v1  }
0x2cc: {  	s31 =	sadd.s32 s28, s10;
	[tilespmem:s0+$0x1E0] =	vst v0  }
0x2cd: {  	[hbm4b:s31+s5] =	stream.linear.scatter [tilespmem:s19], [sflag:$0x6], $0x4000, $0x38;
	[tilespmem:$0x19000] =	vst v63  }
0x2ce: {  	s25 =	sadd.s32 $0x1, s25  }
0x2cf: {  	_ =	swait.ge [sflag:s22], $0x4000;
	p0 =	sne.s32 s25, s12  }
.Ltmp12:
0x2d0: {  	[sflag:s22] =	ssyncset.done $0x0;
	(pc) =	sbr.rel @p0 .LBB2_1-.Ltmp12, $4  }
0x2d1: {  	[sflag:s22] =	ssyncadd.s32 $0xFFFFC000  }
0x2d2: {  	_ =	swait.ge [sflag:s24], $0x4000  }
0x2d3: {  	[sflag:s24] =	ssyncset.done $0x0  }
0x2d4: {  	[sflag:s24] =	ssyncadd.s32 $0xFFFFC000  }
0x2d5: {  	_ =	sfence.sel $0x180000  }
0x2d6: {  	[bflag:$0x0] =	sbarrier.arrive $0xFFFF  }
0x2d7: {  	_ =	strace $0x90000047  }
0x2d8: {  	s0 =	stileid.u32;
	[bflag:$0x2] =	sbarrier.arrive $0xFFFF  }
0x2d9: {  	p0 =	sne.s32 s0, $0x0;
	s0 =	rddreg [dreg:$0x3]  }
0x2da: {  	s0 =	sadd.s32 @!p0 $0x100000, s0  }
0x2db: {  	[sflag:s0] =	ssyncadd.tile.s32 @!p0 $0x1;
	_ =	shalt  }
.Lfunc_end2:
_tile_overlayer_lowered:
.L_overlay_start_2:
0x2dc: {  	(tag) =	ssettag $0x2  }
0x2dd: {  	s0 =	rddreg [dreg:$0x0];
	s2 =	stileid.u32  }
0x2de: {  	s1 =	rddreg [dreg:$0x1];
	p0 =	sne.s32 s2, $0x0  }
0x2df: {  	s3 =	rddreg [dreg:$0x2];
	[bflag:$0x3] =	sbarrier.arrive $0xFFFF;
	s2 =	simm.s32 @!p0 $0x1C07  }
0x2e0: {  	[timem:s3], [sflag:s2] =	dma.local @!p0 [hbm:s0], s1  }
0x2e1: {  	s0 =	simm.s32 @!p0 $0x7  }
0x2e2: {  	_ =	swait.ge @!p0 [sflag:s0], s1  }
0x2e3: {  	s1 =	ssub.s32 @!p0 $0x0, s1;
	[sflag:s0] =	ssyncset.done @!p0 $0x0  }
0x2e4: {  	[sflag:s0] =	ssyncadd.s32 @!p0 s1  }
0x2e5: {  	[bflag:$0x3] =	sbarrier.arrive $0xFFFF  }
0x2e6: {  	_ =	shalt  }

</sc_bundles>
